<compile_context>
chip_gen: v7x
topology: tpu7x:2x2x1
jax: 0.10.2.dev20260603
libtpu: 0.0.44.dev20260713+nightly
codegen_flags: <defaults>
</compile_context>

<pallas_src>
import functools

import jax
import jax.numpy as jnp
from jax import lax
from jax.experimental import pallas as pl
from jax.experimental.pallas import tpu as pltpu
from jax.experimental.pallas import tpu_sc as plsc

N = 10000
E = 320000
IN_DIM = 128
HIDDEN = 256
OUT_DIM = 128

NC = 2
NS = 16
NW = NC * NS
CHUNK = 128
ROWS_PER_W = 80
E_PAD = NW * ROWS_PER_W * CHUNK
ACC_PAD = 10240
TILE_SLICE = ACC_PAD // NS
PIPE = 16
ROW_TILE = 2560


def _sc_segment_sum(s, src3, dst3):
    mesh = plsc.VectorSubcoreMesh(core_axis_name="c", subcore_axis_name="s")

    @functools.partial(
        pl.kernel,
        mesh=mesh,
        out_type=jax.ShapeDtypeStruct((NC, ACC_PAD), jnp.float32),
        scratch_types=[
            pltpu.VMEM((ROWS_PER_W, CHUNK), jnp.int32),
            pltpu.VMEM((ROWS_PER_W, CHUNK), jnp.int32),
            pltpu.VMEM((ROWS_PER_W, CHUNK), jnp.float32),
            pltpu.VMEM((TILE_SLICE,), jnp.float32),
            pltpu.VMEM_SHARED((ACC_PAD,), jnp.float32),
            pltpu.VMEM_SHARED((N,), jnp.float32),
            pltpu.SemaphoreType.DMA((PIPE,)),
            pltpu.SemaphoreType.DMA,
        ],
    )
    def seg_sum(s_hbm, src_hbm, dst_hbm, out_hbm, src_v, dst_v, vals_v,
                z_v, acc, s_sh, gsem, sem_s):
        cid = lax.axis_index("c")
        sid = lax.axis_index("s")
        wid = cid * NS + sid

        @pl.when(sid == 0)
        def _():
            pltpu.async_copy(s_hbm, s_sh, sem_s)

        pltpu.sync_copy(src_hbm.at[wid], src_v)
        pltpu.sync_copy(dst_hbm.at[wid], dst_v)

        zeros16 = jnp.zeros((16,), jnp.float32)

        def zbody(k, carry):
            z_v[pl.ds(k * 16, 16)] = zeros16
            return carry

        lax.fori_loop(0, TILE_SLICE // 16, zbody, 0)
        pltpu.sync_copy(z_v, acc.at[pl.ds(sid * TILE_SLICE, TILE_SLICE)])

        @pl.when(sid == 0)
        def _():
            pltpu.make_async_copy(s_hbm, s_sh, sem_s).wait()

        plsc.subcore_barrier()

        for jj in range(PIPE):
            pltpu.async_copy(s_sh.at[src_v.at[jj]], vals_v.at[jj],
                             gsem.at[jj])

        def pbody(o, carry):
            base = o * PIPE
            for jj in range(PIPE):
                j = base + jj
                pltpu.make_async_copy(s_sh.at[src_v.at[j]], vals_v.at[j],
                                      gsem.at[jj]).wait()
                pltpu.async_copy(vals_v.at[j], acc.at[dst_v.at[j]], sem_s,
                                 add=True)
                nxt = j + PIPE

                @pl.when(nxt < ROWS_PER_W)
                def _():
                    pltpu.async_copy(s_sh.at[src_v.at[nxt]], vals_v.at[nxt],
                                     gsem.at[jj])
            return carry

        lax.fori_loop(0, ROWS_PER_W // PIPE, pbody, 0)

        def sdrain(j, carry):
            pltpu.make_async_copy(vals_v.at[j], acc.at[dst_v.at[j]],
                                  sem_s).wait()
            return carry

        lax.fori_loop(0, ROWS_PER_W, sdrain, 0)
        plsc.subcore_barrier()

        pltpu.sync_copy(
            acc.at[pl.ds(sid * TILE_SLICE, TILE_SLICE)],
            out_hbm.at[cid, pl.ds(sid * TILE_SLICE, TILE_SLICE)],
        )

    return seg_sum(s, src3, dst3)


def _dot3(a, bhi, blo):
    ahi = a.astype(jnp.bfloat16)
    alo = (a - ahi.astype(jnp.float32)).astype(jnp.bfloat16)
    d = functools.partial(
        lax.dot_general, dimension_numbers=(((1,), (0,)), ((), ())),
        preferred_element_type=jnp.float32)
    return d(ahi, bhi) + (d(ahi, blo) + d(alo, bhi))


def _tc1_body(x_ref, brel, wroot, whhi, whlo, bh, wls, bls, h_ref):
    xb = x_ref[...]
    hp = jax.lax.Precision.HIGHEST
    x1p = brel[...] + xb[:, 0:1] * wroot[...]
    h_ref[...] = (_dot3(xb, whhi[...], whlo[...]) + bh[...]
                  + jnp.dot(x1p, wls[...], preferred_element_type=jnp.float32,
                            precision=hp)
                  + bls[...])


def _tc2_body(h_ref, p_ref, wrel, wls, w1hi, w1lo, b1, w2hi, w2lo, b2,
              o_ref):
    pb = p_ref[...]
    ones = jnp.ones((NC, 1), jnp.float32)
    hp = jax.lax.Precision.HIGHEST
    aggc = lax.dot_general(pb, ones, (((0,), (0,)), ((), ())),
                           preferred_element_type=jnp.float32,
                           precision=hp)
    h = h_ref[...] + jnp.dot(aggc * wrel[...], wls[...],
                             preferred_element_type=jnp.float32, precision=hp)
    h1 = jnp.maximum(_dot3(h, w1hi[...], w1lo[...]) + b1[...], 0.0)
    o_ref[...] = jax.nn.sigmoid(_dot3(h1, w2hi[...], w2lo[...]) + b2[...])


def _split(w):
    hi = w.astype(jnp.bfloat16)
    lo = (w - hi.astype(jnp.float32)).astype(jnp.bfloat16)
    return hi, lo


def _tc_forward(data_x, parts, W_rel, b_rel, W_root, W_hist, b_hist, W_ls,
                b_ls, W1, b1, W2, b2):
    full = lambda shape: pl.BlockSpec(shape, lambda i: (0, 0))
    whhi, whlo = _split(W_hist)
    w1hi, w1lo = _split(W1)
    w2hi, w2lo = _split(W2)
    hpre = pl.pallas_call(
        _tc1_body,
        grid=(pl.cdiv(N, ROW_TILE),),
        in_specs=[
            pl.BlockSpec((ROW_TILE, IN_DIM), lambda i: (i, 0)),
            full((1, 1)), full((1, 1)),
            full((IN_DIM, HIDDEN)), full((IN_DIM, HIDDEN)),
            full((1, HIDDEN)),
            full((1, HIDDEN)), full((1, HIDDEN)),
        ],
        out_specs=pl.BlockSpec((ROW_TILE, HIDDEN), lambda i: (i, 0)),
        out_shape=jax.ShapeDtypeStruct((N, HIDDEN), jnp.float32),
        compiler_params=pltpu.CompilerParams(
            dimension_semantics=("arbitrary",)),
    )(data_x, b_rel, W_root, whhi, whlo, b_hist, W_ls, b_ls)
    return pl.pallas_call(
        _tc2_body,
        grid=(pl.cdiv(N, ROW_TILE),),
        in_specs=[
            pl.BlockSpec((ROW_TILE, HIDDEN), lambda i: (i, 0)),
            pl.BlockSpec((NC, ROW_TILE), lambda i: (0, i)),
            full((1, 1)), full((1, HIDDEN)),
            full((HIDDEN, HIDDEN)), full((HIDDEN, HIDDEN)),
            full((1, HIDDEN)),
            full((HIDDEN, OUT_DIM)), full((HIDDEN, OUT_DIM)),
            full((1, OUT_DIM)),
        ],
        out_specs=pl.BlockSpec((ROW_TILE, OUT_DIM), lambda i: (i, 0)),
        out_shape=jax.ShapeDtypeStruct((N, OUT_DIM), jnp.float32),
        compiler_params=pltpu.CompilerParams(
            dimension_semantics=("arbitrary",)),
    )(hpre, parts, W_rel, W_ls, w1hi, w1lo, b1, w2hi, w2lo, b2)


@jax.jit
def kernel(data_x, edge_index, W_rel, b_rel, W_root, W_hist, b_hist, W_ls,
           b_ls, W1, b1, W2, b2):
    s = data_x[:, 0]
    pad = E_PAD - E
    src_p = jnp.concatenate([edge_index[0], jnp.zeros((pad,), jnp.int32)])
    dst_p = jnp.concatenate([edge_index[1], jnp.full((pad,), N, jnp.int32)])
    src3 = src_p.reshape(NW, ROWS_PER_W, CHUNK)
    dst3 = dst_p.reshape(NW, ROWS_PER_W, CHUNK)

    parts = _sc_segment_sum(s, src3, dst3)

    return _tc_forward(
        data_x, parts, W_rel, b_rel.reshape(1, 1), W_root, W_hist,
        b_hist.reshape(1, HIDDEN), W_ls, b_ls.reshape(1, HIDDEN), W1,
        b1.reshape(1, HIDDEN), W2, b2.reshape(1, OUT_DIM))

# --- scband reference (transcript-rebuilt; emitter-appended) ---
"""Pipeline reference for scband-modified-graph-conv-net-7052336300585 (READ-ONLY COPY).

The authoritative reference and input builder live on the scoring server;
editing this copy changes nothing except your own understanding.
"""

import jax, jax.numpy as jnp
import numpy as np

N = 10000
E = 320000
IN_DIM = 128
HIDDEN = 256
OUT_DIM = 128


def setup_inputs(seed: int = 0) -> dict:
    key = jax.random.key(seed)
    ks = jax.random.split(key, 12)
    data_x = jax.random.normal(ks[0], (N, IN_DIM), dtype=jnp.float32)
    edge_index = jax.random.randint(ks[1], (2, E), 0, N, dtype=jnp.int32)
    # GraphConv(1, 1): lin_rel (with bias) applied to aggregated neighbors, lin_root (no bias) to self
    W_rel = jax.random.normal(ks[2], (1, 1), dtype=jnp.float32)
    b_rel = jnp.zeros((1,), dtype=jnp.float32)
    W_root = jax.random.normal(ks[3], (1, 1), dtype=jnp.float32)
    # history_linear_layer: MLP(in_dim, hidden, hidden, num_layers=1) == Linear(IN_DIM, HIDDEN)
    W_hist = jax.random.normal(ks[4], (IN_DIM, HIDDEN), dtype=jnp.float32) / np.sqrt(IN_DIM)
    b_hist = jnp.zeros((HIDDEN,), dtype=jnp.float32)
    # last_state_linear_layer: MLP(1, hidden, hidden, num_layers=1) == Linear(1, HIDDEN)
    W_ls = jax.random.normal(ks[5], (1, HIDDEN), dtype=jnp.float32)
    b_ls = jnp.zeros((HIDDEN,), dtype=jnp.float32)
    # last_linear_layer: MLP(hidden, hidden, out_dim, num_layers=2) == Linear+ReLU+Linear
    W1 = jax.random.normal(ks[6], (HIDDEN, HIDDEN), dtype=jnp.float32) / np.sqrt(HIDDEN)
    b1 = jnp.zeros((HIDDEN,), dtype=jnp.float32)
    W2 = jax.random.normal(ks[7], (HIDDEN, OUT_DIM), dtype=jnp.float32) / np.sqrt(HIDDEN)
    b2 = jnp.zeros((OUT_DIM,), dtype=jnp.float32)
    return {"data_x": data_x, "edge_index": edge_index, "W_rel": W_rel, "b_rel": b_rel,
            "W_root": W_root, "W_hist": W_hist, "b_hist": b_hist, "W_ls": W_ls, "b_ls": b_ls,
            "W1": W1, "b1": b1, "W2": W2, "b2": b2}


def reference(data_x, edge_index, W_rel, b_rel, W_root, W_hist, b_hist, W_ls, b_ls, W1, b1, W2, b2):
    last_known_states = data_x[:, 0:1]
    src = edge_index[0]
    dst = edge_index[1]
    # GraphConv with sum aggregation: out = lin_rel(sum_{j->i} x_j) + lin_root(x_i)
    msg = jnp.take(last_known_states, src, axis=0)
    agg = jax.ops.segment_sum(msg, dst, num_segments=N)
    x1 = agg @ W_rel + b_rel + last_known_states @ W_root
    x2 = x1 @ W_ls + b_ls
    x3 = data_x @ W_hist + b_hist
    h = x2 + x3
    h1 = jax.nn.relu(h @ W1 + b1)
    out = jax.nn.sigmoid(h1 @ W2 + b2)
    return out

if __name__ == "__main__":
    import jax
    _d = setup_inputs()
    print(jax.jit(kernel)(*tuple(_d.values())))

</pallas_src>

<mosaic_0001>
#map = affine_map<(d0, d1) -> (0)>
#map1 = affine_map<(d0, d1) -> (0, 0, 0)>
#map2 = affine_map<(d0, d1) -> (0, 0)>
module attributes {stable_mosaic.version = 14 : i64} {
  func.func @seg_sum(%arg0: i32, %arg1: i32, %arg2: memref<10000xf32, #tpu.memory_space<hbm>>, %arg3: memref<32x80x128xi32, #tpu.memory_space<hbm>>, %arg4: memref<32x80x128xi32, #tpu.memory_space<hbm>>, %arg5: memref<2x10240xf32, #tpu.memory_space<hbm>>, %arg6: memref<80x128xi32, #tpu.memory_space<vmem>>, %arg7: memref<80x128xi32, #tpu.memory_space<vmem>>, %arg8: memref<80x128xf32, #tpu.memory_space<vmem>>, %arg9: memref<640xf32, #tpu.memory_space<vmem>>, %arg10: memref<10240xf32, #tpu.memory_space<vmem_shared>>, %arg11: memref<10000xf32, #tpu.memory_space<vmem_shared>>, %arg12: memref<16x!tpu.dma_semaphore, #tpu.memory_space<semaphore_mem>>, %arg13: memref<!tpu.dma_semaphore, #tpu.memory_space<semaphore_mem>>) attributes {dimension_semantics = [#tpu.dimension_semantics<core_parallel>, #tpu.dimension_semantics<subcore_parallel>], iteration_bounds = array<i64: 2, 16>, scalar_prefetch = 0 : i64, scratch_operands = 8 : i64, tpu.core_type = #tpu.core_type<sc_vector_subcore>, window_params = [{transform_indices = #map}, {transform_indices = #map1}, {transform_indices = #map1}, {transform_indices = #map2}]} {
    %mul3A = arith.constant 16 : i32
    %mul3A_0 = arith.muli %arg0, %mul3A : i32
    %add3A = arith.addi %mul3A_0, %arg1 : i32
    %eq3A = arith.constant 0 : i32
    %eq3A_1 = arith.cmpi eq, %arg1, %eq3A : i32
    %convert_element_type3A = arith.extui %eq3A_1 : i1 to i32
    %cond3A = arith.constant 0 : i32
    %cond3A_2 = arith.cmpi ne, %convert_element_type3A, %cond3A : i32
    scf.if %cond3A_2 {
      tpu.enqueue_dma source(%arg2 : memref<10000xf32, #tpu.memory_space<hbm>>) target(%arg11 : memref<10000xf32, #tpu.memory_space<vmem_shared>>) target_semaphore(%arg13 : memref<!tpu.dma_semaphore, #tpu.memory_space<semaphore_mem>>)
    } else {
    }
    "tpu.region"() ({
      %run_scoped3A = tpu.sem_alloc : memref<!tpu.dma_semaphore, #tpu.memory_space<semaphore_mem>>
      %dma_start3A_240 = arith.constant 0 : i32
      %dma_start3A_241 = arith.constant 0 : i32
      %dma_start3A_242 = tpu.memref_slice %arg3[%add3A, %dma_start3A_240, %dma_start3A_241] : memref<32x80x128xi32, #tpu.memory_space<hbm>> -> memref<1x80x128xi32, #tpu.memory_space<hbm>>
      %dma_start3A_243 = tpu.memref_squeeze %dma_start3A_242 : memref<1x80x128xi32, #tpu.memory_space<hbm>> -> memref<80x128xi32, #tpu.memory_space<hbm>>
      %dma_start3A_244 = arith.constant 0 : i32
      %dma_start3A_245 = arith.constant 0 : i32
      %dma_start3A_246 = tpu.memref_slice %arg3[%add3A, %dma_start3A_244, %dma_start3A_245] : memref<32x80x128xi32, #tpu.memory_space<hbm>> -> memref<1x80x128xi32, #tpu.memory_space<hbm>>
      %dma_start3A_247 = tpu.memref_squeeze %dma_start3A_246 : memref<1x80x128xi32, #tpu.memory_space<hbm>> -> memref<80x128xi32, #tpu.memory_space<hbm>>
      tpu.enqueue_dma source(%dma_start3A_247 : memref<80x128xi32, #tpu.memory_space<hbm>>) target(%arg6 : memref<80x128xi32, #tpu.memory_space<vmem>>) target_semaphore(%run_scoped3A : memref<!tpu.dma_semaphore, #tpu.memory_space<semaphore_mem>>)
      %dma_wait3A = arith.constant 0 : i32
      %dma_wait3A_248 = arith.constant 0 : i32
      %dma_wait3A_249 = tpu.memref_slice %arg3[%add3A, %dma_wait3A, %dma_wait3A_248] : memref<32x80x128xi32, #tpu.memory_space<hbm>> -> memref<1x80x128xi32, #tpu.memory_space<hbm>>
      %dma_wait3A_250 = tpu.memref_squeeze %dma_wait3A_249 : memref<1x80x128xi32, #tpu.memory_space<hbm>> -> memref<80x128xi32, #tpu.memory_space<hbm>>
      %dma_wait3A_251 = arith.constant 0 : i32
      %dma_wait3A_252 = arith.constant 0 : i32
      %dma_wait3A_253 = tpu.memref_slice %arg3[%add3A, %dma_wait3A_251, %dma_wait3A_252] : memref<32x80x128xi32, #tpu.memory_space<hbm>> -> memref<1x80x128xi32, #tpu.memory_space<hbm>>
      %dma_wait3A_254 = tpu.memref_squeeze %dma_wait3A_253 : memref<1x80x128xi32, #tpu.memory_space<hbm>> -> memref<80x128xi32, #tpu.memory_space<hbm>>
      tpu.wait_dma2 semaphore(%run_scoped3A : memref<!tpu.dma_semaphore, #tpu.memory_space<semaphore_mem>>) src(%dma_wait3A_254 : memref<80x128xi32, #tpu.memory_space<hbm>>) dst(%arg6 : memref<80x128xi32, #tpu.memory_space<vmem>>)
      tpu.yield
    }) : () -> ()
    "tpu.region"() ({
      %run_scoped3A = tpu.sem_alloc : memref<!tpu.dma_semaphore, #tpu.memory_space<semaphore_mem>>
      %dma_start3A_240 = arith.constant 0 : i32
      %dma_start3A_241 = arith.constant 0 : i32
      %dma_start3A_242 = tpu.memref_slice %arg4[%add3A, %dma_start3A_240, %dma_start3A_241] : memref<32x80x128xi32, #tpu.memory_space<hbm>> -> memref<1x80x128xi32, #tpu.memory_space<hbm>>
      %dma_start3A_243 = tpu.memref_squeeze %dma_start3A_242 : memref<1x80x128xi32, #tpu.memory_space<hbm>> -> memref<80x128xi32, #tpu.memory_space<hbm>>
      %dma_start3A_244 = arith.constant 0 : i32
      %dma_start3A_245 = arith.constant 0 : i32
      %dma_start3A_246 = tpu.memref_slice %arg4[%add3A, %dma_start3A_244, %dma_start3A_245] : memref<32x80x128xi32, #tpu.memory_space<hbm>> -> memref<1x80x128xi32, #tpu.memory_space<hbm>>
      %dma_start3A_247 = tpu.memref_squeeze %dma_start3A_246 : memref<1x80x128xi32, #tpu.memory_space<hbm>> -> memref<80x128xi32, #tpu.memory_space<hbm>>
      tpu.enqueue_dma source(%dma_start3A_247 : memref<80x128xi32, #tpu.memory_space<hbm>>) target(%arg7 : memref<80x128xi32, #tpu.memory_space<vmem>>) target_semaphore(%run_scoped3A : memref<!tpu.dma_semaphore, #tpu.memory_space<semaphore_mem>>)
      %dma_wait3A = arith.constant 0 : i32
      %dma_wait3A_248 = arith.constant 0 : i32
      %dma_wait3A_249 = tpu.memref_slice %arg4[%add3A, %dma_wait3A, %dma_wait3A_248] : memref<32x80x128xi32, #tpu.memory_space<hbm>> -> memref<1x80x128xi32, #tpu.memory_space<hbm>>
      %dma_wait3A_250 = tpu.memref_squeeze %dma_wait3A_249 : memref<1x80x128xi32, #tpu.memory_space<hbm>> -> memref<80x128xi32, #tpu.memory_space<hbm>>
      %dma_wait3A_251 = arith.constant 0 : i32
      %dma_wait3A_252 = arith.constant 0 : i32
      %dma_wait3A_253 = tpu.memref_slice %arg4[%add3A, %dma_wait3A_251, %dma_wait3A_252] : memref<32x80x128xi32, #tpu.memory_space<hbm>> -> memref<1x80x128xi32, #tpu.memory_space<hbm>>
      %dma_wait3A_254 = tpu.memref_squeeze %dma_wait3A_253 : memref<1x80x128xi32, #tpu.memory_space<hbm>> -> memref<80x128xi32, #tpu.memory_space<hbm>>
      tpu.wait_dma2 semaphore(%run_scoped3A : memref<!tpu.dma_semaphore, #tpu.memory_space<semaphore_mem>>) src(%dma_wait3A_254 : memref<80x128xi32, #tpu.memory_space<hbm>>) dst(%arg7 : memref<80x128xi32, #tpu.memory_space<vmem>>)
      tpu.yield
    }) : () -> ()
    %broadcast_in_dim3A = arith.constant 0.000000e+00 : f32
    %broadcast_in_dim3A_3 = vector.broadcast %broadcast_in_dim3A : f32 to vector<16xf32>
    %scan3A = arith.constant 0 : i32
    %scan3A_4 = arith.constant 0 : i32
    %scan3A_5 = arith.constant 40 : i32
    %scan3A_6 = arith.addi %scan3A_4, %scan3A_5 : i32
    %scan3A_7 = arith.constant 1 : i32
    scf.for %scan3A_240 = %scan3A_4 to %scan3A_6 step %scan3A_7  : i32 {
      %mul3A_241 = arith.constant 16 : i32
      %mul3A_242 = arith.muli %scan3A_240, %mul3A_241 : i32
      %swap3A = arith.index_cast %mul3A_242 : i32 to index
      %swap3A_243 = tpu.vector_load %arg9[%swap3A] {strides = array<i32>} : memref<640xf32, #tpu.memory_space<vmem>>, vector<16xf32>,
      %swap3A_244 = vector.shape_cast %swap3A_243 : vector<16xf32> to vector<16xf32>
      %swap3A_245 = vector.shape_cast %broadcast_in_dim3A_3 : vector<16xf32> to vector<16xf32>
      tpu.vector_store %arg9[%swap3A], %swap3A_245 {strides = array<i32>} : memref<640xf32, #tpu.memory_space<vmem>>, vector<16xf32>,
    }
    %scan3A_8 = arith.constant 40 : i32
    %mul3A_9 = arith.constant 640 : i32
    %mul3A_10 = arith.muli %arg1, %mul3A_9 : i32
    "tpu.region"() ({
      %run_scoped3A = tpu.sem_alloc : memref<!tpu.dma_semaphore, #tpu.memory_space<semaphore_mem>>
      %dma_start3A_240 = tpu.memref_slice %arg10[%mul3A_10] : memref<10240xf32, #tpu.memory_space<vmem_shared>> -> memref<640xf32, #tpu.memory_space<vmem_shared>>
      %dma_start3A_241 = tpu.memref_slice %arg10[%mul3A_10] : memref<10240xf32, #tpu.memory_space<vmem_shared>> -> memref<640xf32, #tpu.memory_space<vmem_shared>>
      tpu.enqueue_dma source(%arg9 : memref<640xf32, #tpu.memory_space<vmem>>) target(%dma_start3A_241 : memref<640xf32, #tpu.memory_space<vmem_shared>>) target_semaphore(%run_scoped3A : memref<!tpu.dma_semaphore, #tpu.memory_space<semaphore_mem>>)
      %dma_wait3A = tpu.memref_slice %arg10[%mul3A_10] : memref<10240xf32, #tpu.memory_space<vmem_shared>> -> memref<640xf32, #tpu.memory_space<vmem_shared>>
      %dma_wait3A_242 = tpu.memref_slice %arg10[%mul3A_10] : memref<10240xf32, #tpu.memory_space<vmem_shared>> -> memref<640xf32, #tpu.memory_space<vmem_shared>>
      tpu.wait_dma2 semaphore(%run_scoped3A : memref<!tpu.dma_semaphore, #tpu.memory_space<semaphore_mem>>) src(%arg9 : memref<640xf32, #tpu.memory_space<vmem>>) dst(%dma_wait3A_242 : memref<640xf32, #tpu.memory_space<vmem_shared>>)
      tpu.yield
    }) : () -> ()
    %eq3A_11 = arith.constant 0 : i32
    %eq3A_12 = arith.cmpi eq, %arg1, %eq3A_11 : i32
    %convert_element_type3A_13 = arith.extui %eq3A_12 : i1 to i32
    %cond3A_14 = arith.constant 0 : i32
    %cond3A_15 = arith.cmpi ne, %convert_element_type3A_13, %cond3A_14 : i32
    scf.if %cond3A_15 {
      tpu.wait_dma2 semaphore(%arg13 : memref<!tpu.dma_semaphore, #tpu.memory_space<semaphore_mem>>) src(%arg2 : memref<10000xf32, #tpu.memory_space<hbm>>) dst(%arg11 : memref<10000xf32, #tpu.memory_space<vmem_shared>>)
    } else {
    }
    %barrier3A = arith.constant 0 : index
    tpu.barrier barrier_id(%barrier3A)
    %dma_start3A = arith.constant 0 : i32
    %dma_start3A_16 = arith.constant 0 : i32
    %dma_start3A_17 = arith.constant 0 : i32
    %dma_start3A_18 = arith.constant 0 : i32
    %dma_start3A_19 = tpu.memref_slice %arg8[%dma_start3A_16, %dma_start3A_18] : memref<80x128xf32, #tpu.memory_space<vmem>> -> memref<1x128xf32, #tpu.memory_space<vmem>>
    %dma_start3A_20 = tpu.memref_squeeze %dma_start3A_19 : memref<1x128xf32, #tpu.memory_space<vmem>> -> memref<128xf32, #tpu.memory_space<vmem>>
    %dma_start3A_21 = arith.constant 0 : i32
    %dma_start3A_22 = tpu.memref_slice %arg6[%dma_start3A, %dma_start3A_21] : memref<80x128xi32, #tpu.memory_space<vmem>> -> memref<1x128xi32, #tpu.memory_space<vmem>>
    %dma_start3A_23 = tpu.memref_squeeze %dma_start3A_22 : memref<1x128xi32, #tpu.memory_space<vmem>> -> memref<128xi32, #tpu.memory_space<vmem>>
    %dma_start3A_24 = arith.constant 0 : i32
    %dma_start3A_25 = tpu.memref_slice %arg11[%dma_start3A_24] : memref<10000xf32, #tpu.memory_space<vmem_shared>> -> memref<10000xf32, #tpu.memory_space<vmem_shared>>
    %dma_start3A_26 = tpu.memref_slice %arg12[%dma_start3A_17] : memref<16x!tpu.dma_semaphore, #tpu.memory_space<semaphore_mem>> -> memref<1x!tpu.dma_semaphore, #tpu.memory_space<semaphore_mem>>
    %dma_start3A_27 = tpu.memref_squeeze %dma_start3A_26 : memref<1x!tpu.dma_semaphore, #tpu.memory_space<semaphore_mem>> -> memref<!tpu.dma_semaphore, #tpu.memory_space<semaphore_mem>>
    tpu.enqueue_indirect_dma source(%dma_start3A_25 : memref<10000xf32, #tpu.memory_space<vmem_shared>>) target(%dma_start3A_20 : memref<128xf32, #tpu.memory_space<vmem>>) offsets(%dma_start3A_23 : memref<128xi32, #tpu.memory_space<vmem>>) semaphore(%dma_start3A_27 : memref<!tpu.dma_semaphore, #tpu.memory_space<semaphore_mem>>)
    %dma_start3A_28 = arith.constant 1 : i32
    %dma_start3A_29 = arith.constant 1 : i32
    %dma_start3A_30 = arith.constant 1 : i32
    %dma_start3A_31 = arith.constant 0 : i32
    %dma_start3A_32 = tpu.memref_slice %arg8[%dma_start3A_29, %dma_start3A_31] : memref<80x128xf32, #tpu.memory_space<vmem>> -> memref<1x128xf32, #tpu.memory_space<vmem>>
    %dma_start3A_33 = tpu.memref_squeeze %dma_start3A_32 : memref<1x128xf32, #tpu.memory_space<vmem>> -> memref<128xf32, #tpu.memory_space<vmem>>
    %dma_start3A_34 = arith.constant 0 : i32
    %dma_start3A_35 = tpu.memref_slice %arg6[%dma_start3A_28, %dma_start3A_34] : memref<80x128xi32, #tpu.memory_space<vmem>> -> memref<1x128xi32, #tpu.memory_space<vmem>>
    %dma_start3A_36 = tpu.memref_squeeze %dma_start3A_35 : memref<1x128xi32, #tpu.memory_space<vmem>> -> memref<128xi32, #tpu.memory_space<vmem>>
    %dma_start3A_37 = arith.constant 0 : i32
    %dma_start3A_38 = tpu.memref_slice %arg11[%dma_start3A_37] : memref<10000xf32, #tpu.memory_space<vmem_shared>> -> memref<10000xf32, #tpu.memory_space<vmem_shared>>
    %dma_start3A_39 = tpu.memref_slice %arg12[%dma_start3A_30] : memref<16x!tpu.dma_semaphore, #tpu.memory_space<semaphore_mem>> -> memref<1x!tpu.dma_semaphore, #tpu.memory_space<semaphore_mem>>
    %dma_start3A_40 = tpu.memref_squeeze %dma_start3A_39 : memref<1x!tpu.dma_semaphore, #tpu.memory_space<semaphore_mem>> -> memref<!tpu.dma_semaphore, #tpu.memory_space<semaphore_mem>>
    tpu.enqueue_indirect_dma source(%dma_start3A_38 : memref<10000xf32, #tpu.memory_space<vmem_shared>>) target(%dma_start3A_33 : memref<128xf32, #tpu.memory_space<vmem>>) offsets(%dma_start3A_36 : memref<128xi32, #tpu.memory_space<vmem>>) semaphore(%dma_start3A_40 : memref<!tpu.dma_semaphore, #tpu.memory_space<semaphore_mem>>)
    %dma_start3A_41 = arith.constant 2 : i32
    %dma_start3A_42 = arith.constant 2 : i32
    %dma_start3A_43 = arith.constant 2 : i32
    %dma_start3A_44 = arith.constant 0 : i32
    %dma_start3A_45 = tpu.memref_slice %arg8[%dma_start3A_42, %dma_start3A_44] : memref<80x128xf32, #tpu.memory_space<vmem>> -> memref<1x128xf32, #tpu.memory_space<vmem>>
    %dma_start3A_46 = tpu.memref_squeeze %dma_start3A_45 : memref<1x128xf32, #tpu.memory_space<vmem>> -> memref<128xf32, #tpu.memory_space<vmem>>
    %dma_start3A_47 = arith.constant 0 : i32
    %dma_start3A_48 = tpu.memref_slice %arg6[%dma_start3A_41, %dma_start3A_47] : memref<80x128xi32, #tpu.memory_space<vmem>> -> memref<1x128xi32, #tpu.memory_space<vmem>>
    %dma_start3A_49 = tpu.memref_squeeze %dma_start3A_48 : memref<1x128xi32, #tpu.memory_space<vmem>> -> memref<128xi32, #tpu.memory_space<vmem>>
    %dma_start3A_50 = arith.constant 0 : i32
    %dma_start3A_51 = tpu.memref_slice %arg11[%dma_start3A_50] : memref<10000xf32, #tpu.memory_space<vmem_shared>> -> memref<10000xf32, #tpu.memory_space<vmem_shared>>
    %dma_start3A_52 = tpu.memref_slice %arg12[%dma_start3A_43] : memref<16x!tpu.dma_semaphore, #tpu.memory_space<semaphore_mem>> -> memref<1x!tpu.dma_semaphore, #tpu.memory_space<semaphore_mem>>
    %dma_start3A_53 = tpu.memref_squeeze %dma_start3A_52 : memref<1x!tpu.dma_semaphore, #tpu.memory_space<semaphore_mem>> -> memref<!tpu.dma_semaphore, #tpu.memory_space<semaphore_mem>>
    tpu.enqueue_indirect_dma source(%dma_start3A_51 : memref<10000xf32, #tpu.memory_space<vmem_shared>>) target(%dma_start3A_46 : memref<128xf32, #tpu.memory_space<vmem>>) offsets(%dma_start3A_49 : memref<128xi32, #tpu.memory_space<vmem>>) semaphore(%dma_start3A_53 : memref<!tpu.dma_semaphore, #tpu.memory_space<semaphore_mem>>)
    %dma_start3A_54 = arith.constant 3 : i32
    %dma_start3A_55 = arith.constant 3 : i32
    %dma_start3A_56 = arith.constant 3 : i32
    %dma_start3A_57 = arith.constant 0 : i32
    %dma_start3A_58 = tpu.memref_slice %arg8[%dma_start3A_55, %dma_start3A_57] : memref<80x128xf32, #tpu.memory_space<vmem>> -> memref<1x128xf32, #tpu.memory_space<vmem>>
    %dma_start3A_59 = tpu.memref_squeeze %dma_start3A_58 : memref<1x128xf32, #tpu.memory_space<vmem>> -> memref<128xf32, #tpu.memory_space<vmem>>
    %dma_start3A_60 = arith.constant 0 : i32
    %dma_start3A_61 = tpu.memref_slice %arg6[%dma_start3A_54, %dma_start3A_60] : memref<80x128xi32, #tpu.memory_space<vmem>> -> memref<1x128xi32, #tpu.memory_space<vmem>>
    %dma_start3A_62 = tpu.memref_squeeze %dma_start3A_61 : memref<1x128xi32, #tpu.memory_space<vmem>> -> memref<128xi32, #tpu.memory_space<vmem>>
    %dma_start3A_63 = arith.constant 0 : i32
    %dma_start3A_64 = tpu.memref_slice %arg11[%dma_start3A_63] : memref<10000xf32, #tpu.memory_space<vmem_shared>> -> memref<10000xf32, #tpu.memory_space<vmem_shared>>
    %dma_start3A_65 = tpu.memref_slice %arg12[%dma_start3A_56] : memref<16x!tpu.dma_semaphore, #tpu.memory_space<semaphore_mem>> -> memref<1x!tpu.dma_semaphore, #tpu.memory_space<semaphore_mem>>
    %dma_start3A_66 = tpu.memref_squeeze %dma_start3A_65 : memref<1x!tpu.dma_semaphore, #tpu.memory_space<semaphore_mem>> -> memref<!tpu.dma_semaphore, #tpu.memory_space<semaphore_mem>>
    tpu.enqueue_indirect_dma source(%dma_start3A_64 : memref<10000xf32, #tpu.memory_space<vmem_shared>>) target(%dma_start3A_59 : memref<128xf32, #tpu.memory_space<vmem>>) offsets(%dma_start3A_62 : memref<128xi32, #tpu.memory_space<vmem>>) semaphore(%dma_start3A_66 : memref<!tpu.dma_semaphore, #tpu.memory_space<semaphore_mem>>)
    %dma_start3A_67 = arith.constant 4 : i32
    %dma_start3A_68 = arith.constant 4 : i32
    %dma_start3A_69 = arith.constant 4 : i32
    %dma_start3A_70 = arith.constant 0 : i32
    %dma_start3A_71 = tpu.memref_slice %arg8[%dma_start3A_68, %dma_start3A_70] : memref<80x128xf32, #tpu.memory_space<vmem>> -> memref<1x128xf32, #tpu.memory_space<vmem>>
    %dma_start3A_72 = tpu.memref_squeeze %dma_start3A_71 : memref<1x128xf32, #tpu.memory_space<vmem>> -> memref<128xf32, #tpu.memory_space<vmem>>
    %dma_start3A_73 = arith.constant 0 : i32
    %dma_start3A_74 = tpu.memref_slice %arg6[%dma_start3A_67, %dma_start3A_73] : memref<80x128xi32, #tpu.memory_space<vmem>> -> memref<1x128xi32, #tpu.memory_space<vmem>>
    %dma_start3A_75 = tpu.memref_squeeze %dma_start3A_74 : memref<1x128xi32, #tpu.memory_space<vmem>> -> memref<128xi32, #tpu.memory_space<vmem>>
    %dma_start3A_76 = arith.constant 0 : i32
    %dma_start3A_77 = tpu.memref_slice %arg11[%dma_start3A_76] : memref<10000xf32, #tpu.memory_space<vmem_shared>> -> memref<10000xf32, #tpu.memory_space<vmem_shared>>
    %dma_start3A_78 = tpu.memref_slice %arg12[%dma_start3A_69] : memref<16x!tpu.dma_semaphore, #tpu.memory_space<semaphore_mem>> -> memref<1x!tpu.dma_semaphore, #tpu.memory_space<semaphore_mem>>
    %dma_start3A_79 = tpu.memref_squeeze %dma_start3A_78 : memref<1x!tpu.dma_semaphore, #tpu.memory_space<semaphore_mem>> -> memref<!tpu.dma_semaphore, #tpu.memory_space<semaphore_mem>>
    tpu.enqueue_indirect_dma source(%dma_start3A_77 : memref<10000xf32, #tpu.memory_space<vmem_shared>>) target(%dma_start3A_72 : memref<128xf32, #tpu.memory_space<vmem>>) offsets(%dma_start3A_75 : memref<128xi32, #tpu.memory_space<vmem>>) semaphore(%dma_start3A_79 : memref<!tpu.dma_semaphore, #tpu.memory_space<semaphore_mem>>)
    %dma_start3A_80 = arith.constant 5 : i32
    %dma_start3A_81 = arith.constant 5 : i32
    %dma_start3A_82 = arith.constant 5 : i32
    %dma_start3A_83 = arith.constant 0 : i32
    %dma_start3A_84 = tpu.memref_slice %arg8[%dma_start3A_81, %dma_start3A_83] : memref<80x128xf32, #tpu.memory_space<vmem>> -> memref<1x128xf32, #tpu.memory_space<vmem>>
    %dma_start3A_85 = tpu.memref_squeeze %dma_start3A_84 : memref<1x128xf32, #tpu.memory_space<vmem>> -> memref<128xf32, #tpu.memory_space<vmem>>
    %dma_start3A_86 = arith.constant 0 : i32
    %dma_start3A_87 = tpu.memref_slice %arg6[%dma_start3A_80, %dma_start3A_86] : memref<80x128xi32, #tpu.memory_space<vmem>> -> memref<1x128xi32, #tpu.memory_space<vmem>>
    %dma_start3A_88 = tpu.memref_squeeze %dma_start3A_87 : memref<1x128xi32, #tpu.memory_space<vmem>> -> memref<128xi32, #tpu.memory_space<vmem>>
    %dma_start3A_89 = arith.constant 0 : i32
    %dma_start3A_90 = tpu.memref_slice %arg11[%dma_start3A_89] : memref<10000xf32, #tpu.memory_space<vmem_shared>> -> memref<10000xf32, #tpu.memory_space<vmem_shared>>
    %dma_start3A_91 = tpu.memref_slice %arg12[%dma_start3A_82] : memref<16x!tpu.dma_semaphore, #tpu.memory_space<semaphore_mem>> -> memref<1x!tpu.dma_semaphore, #tpu.memory_space<semaphore_mem>>
    %dma_start3A_92 = tpu.memref_squeeze %dma_start3A_91 : memref<1x!tpu.dma_semaphore, #tpu.memory_space<semaphore_mem>> -> memref<!tpu.dma_semaphore, #tpu.memory_space<semaphore_mem>>
    tpu.enqueue_indirect_dma source(%dma_start3A_90 : memref<10000xf32, #tpu.memory_space<vmem_shared>>) target(%dma_start3A_85 : memref<128xf32, #tpu.memory_space<vmem>>) offsets(%dma_start3A_88 : memref<128xi32, #tpu.memory_space<vmem>>) semaphore(%dma_start3A_92 : memref<!tpu.dma_semaphore, #tpu.memory_space<semaphore_mem>>)
    %dma_start3A_93 = arith.constant 6 : i32
    %dma_start3A_94 = arith.constant 6 : i32
    %dma_start3A_95 = arith.constant 6 : i32
    %dma_start3A_96 = arith.constant 0 : i32
    %dma_start3A_97 = tpu.memref_slice %arg8[%dma_start3A_94, %dma_start3A_96] : memref<80x128xf32, #tpu.memory_space<vmem>> -> memref<1x128xf32, #tpu.memory_space<vmem>>
    %dma_start3A_98 = tpu.memref_squeeze %dma_start3A_97 : memref<1x128xf32, #tpu.memory_space<vmem>> -> memref<128xf32, #tpu.memory_space<vmem>>
    %dma_start3A_99 = arith.constant 0 : i32
    %dma_start3A_100 = tpu.memref_slice %arg6[%dma_start3A_93, %dma_start3A_99] : memref<80x128xi32, #tpu.memory_space<vmem>> -> memref<1x128xi32, #tpu.memory_space<vmem>>
    %dma_start3A_101 = tpu.memref_squeeze %dma_start3A_100 : memref<1x128xi32, #tpu.memory_space<vmem>> -> memref<128xi32, #tpu.memory_space<vmem>>
    %dma_start3A_102 = arith.constant 0 : i32
    %dma_start3A_103 = tpu.memref_slice %arg11[%dma_start3A_102] : memref<10000xf32, #tpu.memory_space<vmem_shared>> -> memref<10000xf32, #tpu.memory_space<vmem_shared>>
    %dma_start3A_104 = tpu.memref_slice %arg12[%dma_start3A_95] : memref<16x!tpu.dma_semaphore, #tpu.memory_space<semaphore_mem>> -> memref<1x!tpu.dma_semaphore, #tpu.memory_space<semaphore_mem>>
    %dma_start3A_105 = tpu.memref_squeeze %dma_start3A_104 : memref<1x!tpu.dma_semaphore, #tpu.memory_space<semaphore_mem>> -> memref<!tpu.dma_semaphore, #tpu.memory_space<semaphore_mem>>
    tpu.enqueue_indirect_dma source(%dma_start3A_103 : memref<10000xf32, #tpu.memory_space<vmem_shared>>) target(%dma_start3A_98 : memref<128xf32, #tpu.memory_space<vmem>>) offsets(%dma_start3A_101 : memref<128xi32, #tpu.memory_space<vmem>>) semaphore(%dma_start3A_105 : memref<!tpu.dma_semaphore, #tpu.memory_space<semaphore_mem>>)
    %dma_start3A_106 = arith.constant 7 : i32
    %dma_start3A_107 = arith.constant 7 : i32
    %dma_start3A_108 = arith.constant 7 : i32
    %dma_start3A_109 = arith.constant 0 : i32
    %dma_start3A_110 = tpu.memref_slice %arg8[%dma_start3A_107, %dma_start3A_109] : memref<80x128xf32, #tpu.memory_space<vmem>> -> memref<1x128xf32, #tpu.memory_space<vmem>>
    %dma_start3A_111 = tpu.memref_squeeze %dma_start3A_110 : memref<1x128xf32, #tpu.memory_space<vmem>> -> memref<128xf32, #tpu.memory_space<vmem>>
    %dma_start3A_112 = arith.constant 0 : i32
    %dma_start3A_113 = tpu.memref_slice %arg6[%dma_start3A_106, %dma_start3A_112] : memref<80x128xi32, #tpu.memory_space<vmem>> -> memref<1x128xi32, #tpu.memory_space<vmem>>
    %dma_start3A_114 = tpu.memref_squeeze %dma_start3A_113 : memref<1x128xi32, #tpu.memory_space<vmem>> -> memref<128xi32, #tpu.memory_space<vmem>>
    %dma_start3A_115 = arith.constant 0 : i32
    %dma_start3A_116 = tpu.memref_slice %arg11[%dma_start3A_115] : memref<10000xf32, #tpu.memory_space<vmem_shared>> -> memref<10000xf32, #tpu.memory_space<vmem_shared>>
    %dma_start3A_117 = tpu.memref_slice %arg12[%dma_start3A_108] : memref<16x!tpu.dma_semaphore, #tpu.memory_space<semaphore_mem>> -> memref<1x!tpu.dma_semaphore, #tpu.memory_space<semaphore_mem>>
    %dma_start3A_118 = tpu.memref_squeeze %dma_start3A_117 : memref<1x!tpu.dma_semaphore, #tpu.memory_space<semaphore_mem>> -> memref<!tpu.dma_semaphore, #tpu.memory_space<semaphore_mem>>
    tpu.enqueue_indirect_dma source(%dma_start3A_116 : memref<10000xf32, #tpu.memory_space<vmem_shared>>) target(%dma_start3A_111 : memref<128xf32, #tpu.memory_space<vmem>>) offsets(%dma_start3A_114 : memref<128xi32, #tpu.memory_space<vmem>>) semaphore(%dma_start3A_118 : memref<!tpu.dma_semaphore, #tpu.memory_space<semaphore_mem>>)
    %dma_start3A_119 = arith.constant 8 : i32
    %dma_start3A_120 = arith.constant 8 : i32
    %dma_start3A_121 = arith.constant 8 : i32
    %dma_start3A_122 = arith.constant 0 : i32
    %dma_start3A_123 = tpu.memref_slice %arg8[%dma_start3A_120, %dma_start3A_122] : memref<80x128xf32, #tpu.memory_space<vmem>> -> memref<1x128xf32, #tpu.memory_space<vmem>>
    %dma_start3A_124 = tpu.memref_squeeze %dma_start3A_123 : memref<1x128xf32, #tpu.memory_space<vmem>> -> memref<128xf32, #tpu.memory_space<vmem>>
    %dma_start3A_125 = arith.constant 0 : i32
    %dma_start3A_126 = tpu.memref_slice %arg6[%dma_start3A_119, %dma_start3A_125] : memref<80x128xi32, #tpu.memory_space<vmem>> -> memref<1x128xi32, #tpu.memory_space<vmem>>
    %dma_start3A_127 = tpu.memref_squeeze %dma_start3A_126 : memref<1x128xi32, #tpu.memory_space<vmem>> -> memref<128xi32, #tpu.memory_space<vmem>>
    %dma_start3A_128 = arith.constant 0 : i32
    %dma_start3A_129 = tpu.memref_slice %arg11[%dma_start3A_128] : memref<10000xf32, #tpu.memory_space<vmem_shared>> -> memref<10000xf32, #tpu.memory_space<vmem_shared>>
    %dma_start3A_130 = tpu.memref_slice %arg12[%dma_start3A_121] : memref<16x!tpu.dma_semaphore, #tpu.memory_space<semaphore_mem>> -> memref<1x!tpu.dma_semaphore, #tpu.memory_space<semaphore_mem>>
    %dma_start3A_131 = tpu.memref_squeeze %dma_start3A_130 : memref<1x!tpu.dma_semaphore, #tpu.memory_space<semaphore_mem>> -> memref<!tpu.dma_semaphore, #tpu.memory_space<semaphore_mem>>
    tpu.enqueue_indirect_dma source(%dma_start3A_129 : memref<10000xf32, #tpu.memory_space<vmem_shared>>) target(%dma_start3A_124 : memref<128xf32, #tpu.memory_space<vmem>>) offsets(%dma_start3A_127 : memref<128xi32, #tpu.memory_space<vmem>>) semaphore(%dma_start3A_131 : memref<!tpu.dma_semaphore, #tpu.memory_space<semaphore_mem>>)
    %dma_start3A_132 = arith.constant 9 : i32
    %dma_start3A_133 = arith.constant 9 : i32
    %dma_start3A_134 = arith.constant 9 : i32
    %dma_start3A_135 = arith.constant 0 : i32
    %dma_start3A_136 = tpu.memref_slice %arg8[%dma_start3A_133, %dma_start3A_135] : memref<80x128xf32, #tpu.memory_space<vmem>> -> memref<1x128xf32, #tpu.memory_space<vmem>>
    %dma_start3A_137 = tpu.memref_squeeze %dma_start3A_136 : memref<1x128xf32, #tpu.memory_space<vmem>> -> memref<128xf32, #tpu.memory_space<vmem>>
    %dma_start3A_138 = arith.constant 0 : i32
    %dma_start3A_139 = tpu.memref_slice %arg6[%dma_start3A_132, %dma_start3A_138] : memref<80x128xi32, #tpu.memory_space<vmem>> -> memref<1x128xi32, #tpu.memory_space<vmem>>
    %dma_start3A_140 = tpu.memref_squeeze %dma_start3A_139 : memref<1x128xi32, #tpu.memory_space<vmem>> -> memref<128xi32, #tpu.memory_space<vmem>>
    %dma_start3A_141 = arith.constant 0 : i32
    %dma_start3A_142 = tpu.memref_slice %arg11[%dma_start3A_141] : memref<10000xf32, #tpu.memory_space<vmem_shared>> -> memref<10000xf32, #tpu.memory_space<vmem_shared>>
    %dma_start3A_143 = tpu.memref_slice %arg12[%dma_start3A_134] : memref<16x!tpu.dma_semaphore, #tpu.memory_space<semaphore_mem>> -> memref<1x!tpu.dma_semaphore, #tpu.memory_space<semaphore_mem>>
    %dma_start3A_144 = tpu.memref_squeeze %dma_start3A_143 : memref<1x!tpu.dma_semaphore, #tpu.memory_space<semaphore_mem>> -> memref<!tpu.dma_semaphore, #tpu.memory_space<semaphore_mem>>
    tpu.enqueue_indirect_dma source(%dma_start3A_142 : memref<10000xf32, #tpu.memory_space<vmem_shared>>) target(%dma_start3A_137 : memref<128xf32, #tpu.memory_space<vmem>>) offsets(%dma_start3A_140 : memref<128xi32, #tpu.memory_space<vmem>>) semaphore(%dma_start3A_144 : memref<!tpu.dma_semaphore, #tpu.memory_space<semaphore_mem>>)
    %dma_start3A_145 = arith.constant 10 : i32
    %dma_start3A_146 = arith.constant 10 : i32
    %dma_start3A_147 = arith.constant 10 : i32
    %dma_start3A_148 = arith.constant 0 : i32
    %dma_start3A_149 = tpu.memref_slice %arg8[%dma_start3A_146, %dma_start3A_148] : memref<80x128xf32, #tpu.memory_space<vmem>> -> memref<1x128xf32, #tpu.memory_space<vmem>>
    %dma_start3A_150 = tpu.memref_squeeze %dma_start3A_149 : memref<1x128xf32, #tpu.memory_space<vmem>> -> memref<128xf32, #tpu.memory_space<vmem>>
    %dma_start3A_151 = arith.constant 0 : i32
    %dma_start3A_152 = tpu.memref_slice %arg6[%dma_start3A_145, %dma_start3A_151] : memref<80x128xi32, #tpu.memory_space<vmem>> -> memref<1x128xi32, #tpu.memory_space<vmem>>
    %dma_start3A_153 = tpu.memref_squeeze %dma_start3A_152 : memref<1x128xi32, #tpu.memory_space<vmem>> -> memref<128xi32, #tpu.memory_space<vmem>>
    %dma_start3A_154 = arith.constant 0 : i32
    %dma_start3A_155 = tpu.memref_slice %arg11[%dma_start3A_154] : memref<10000xf32, #tpu.memory_space<vmem_shared>> -> memref<10000xf32, #tpu.memory_space<vmem_shared>>
    %dma_start3A_156 = tpu.memref_slice %arg12[%dma_start3A_147] : memref<16x!tpu.dma_semaphore, #tpu.memory_space<semaphore_mem>> -> memref<1x!tpu.dma_semaphore, #tpu.memory_space<semaphore_mem>>
    %dma_start3A_157 = tpu.memref_squeeze %dma_start3A_156 : memref<1x!tpu.dma_semaphore, #tpu.memory_space<semaphore_mem>> -> memref<!tpu.dma_semaphore, #tpu.memory_space<semaphore_mem>>
    tpu.enqueue_indirect_dma source(%dma_start3A_155 : memref<10000xf32, #tpu.memory_space<vmem_shared>>) target(%dma_start3A_150 : memref<128xf32, #tpu.memory_space<vmem>>) offsets(%dma_start3A_153 : memref<128xi32, #tpu.memory_space<vmem>>) semaphore(%dma_start3A_157 : memref<!tpu.dma_semaphore, #tpu.memory_space<semaphore_mem>>)
    %dma_start3A_158 = arith.constant 11 : i32
    %dma_start3A_159 = arith.constant 11 : i32
    %dma_start3A_160 = arith.constant 11 : i32
    %dma_start3A_161 = arith.constant 0 : i32
    %dma_start3A_162 = tpu.memref_slice %arg8[%dma_start3A_159, %dma_start3A_161] : memref<80x128xf32, #tpu.memory_space<vmem>> -> memref<1x128xf32, #tpu.memory_space<vmem>>
    %dma_start3A_163 = tpu.memref_squeeze %dma_start3A_162 : memref<1x128xf32, #tpu.memory_space<vmem>> -> memref<128xf32, #tpu.memory_space<vmem>>
    %dma_start3A_164 = arith.constant 0 : i32
    %dma_start3A_165 = tpu.memref_slice %arg6[%dma_start3A_158, %dma_start3A_164] : memref<80x128xi32, #tpu.memory_space<vmem>> -> memref<1x128xi32, #tpu.memory_space<vmem>>
    %dma_start3A_166 = tpu.memref_squeeze %dma_start3A_165 : memref<1x128xi32, #tpu.memory_space<vmem>> -> memref<128xi32, #tpu.memory_space<vmem>>
    %dma_start3A_167 = arith.constant 0 : i32
    %dma_start3A_168 = tpu.memref_slice %arg11[%dma_start3A_167] : memref<10000xf32, #tpu.memory_space<vmem_shared>> -> memref<10000xf32, #tpu.memory_space<vmem_shared>>
    %dma_start3A_169 = tpu.memref_slice %arg12[%dma_start3A_160] : memref<16x!tpu.dma_semaphore, #tpu.memory_space<semaphore_mem>> -> memref<1x!tpu.dma_semaphore, #tpu.memory_space<semaphore_mem>>
    %dma_start3A_170 = tpu.memref_squeeze %dma_start3A_169 : memref<1x!tpu.dma_semaphore, #tpu.memory_space<semaphore_mem>> -> memref<!tpu.dma_semaphore, #tpu.memory_space<semaphore_mem>>
    tpu.enqueue_indirect_dma source(%dma_start3A_168 : memref<10000xf32, #tpu.memory_space<vmem_shared>>) target(%dma_start3A_163 : memref<128xf32, #tpu.memory_space<vmem>>) offsets(%dma_start3A_166 : memref<128xi32, #tpu.memory_space<vmem>>) semaphore(%dma_start3A_170 : memref<!tpu.dma_semaphore, #tpu.memory_space<semaphore_mem>>)
    %dma_start3A_171 = arith.constant 12 : i32
    %dma_start3A_172 = arith.constant 12 : i32
    %dma_start3A_173 = arith.constant 12 : i32
    %dma_start3A_174 = arith.constant 0 : i32
    %dma_start3A_175 = tpu.memref_slice %arg8[%dma_start3A_172, %dma_start3A_174] : memref<80x128xf32, #tpu.memory_space<vmem>> -> memref<1x128xf32, #tpu.memory_space<vmem>>
    %dma_start3A_176 = tpu.memref_squeeze %dma_start3A_175 : memref<1x128xf32, #tpu.memory_space<vmem>> -> memref<128xf32, #tpu.memory_space<vmem>>
    %dma_start3A_177 = arith.constant 0 : i32
    %dma_start3A_178 = tpu.memref_slice %arg6[%dma_start3A_171, %dma_start3A_177] : memref<80x128xi32, #tpu.memory_space<vmem>> -> memref<1x128xi32, #tpu.memory_space<vmem>>
    %dma_start3A_179 = tpu.memref_squeeze %dma_start3A_178 : memref<1x128xi32, #tpu.memory_space<vmem>> -> memref<128xi32, #tpu.memory_space<vmem>>
    %dma_start3A_180 = arith.constant 0 : i32
    %dma_start3A_181 = tpu.memref_slice %arg11[%dma_start3A_180] : memref<10000xf32, #tpu.memory_space<vmem_shared>> -> memref<10000xf32, #tpu.memory_space<vmem_shared>>
    %dma_start3A_182 = tpu.memref_slice %arg12[%dma_start3A_173] : memref<16x!tpu.dma_semaphore, #tpu.memory_space<semaphore_mem>> -> memref<1x!tpu.dma_semaphore, #tpu.memory_space<semaphore_mem>>
    %dma_start3A_183 = tpu.memref_squeeze %dma_start3A_182 : memref<1x!tpu.dma_semaphore, #tpu.memory_space<semaphore_mem>> -> memref<!tpu.dma_semaphore, #tpu.memory_space<semaphore_mem>>
    tpu.enqueue_indirect_dma source(%dma_start3A_181 : memref<10000xf32, #tpu.memory_space<vmem_shared>>) target(%dma_start3A_176 : memref<128xf32, #tpu.memory_space<vmem>>) offsets(%dma_start3A_179 : memref<128xi32, #tpu.memory_space<vmem>>) semaphore(%dma_start3A_183 : memref<!tpu.dma_semaphore, #tpu.memory_space<semaphore_mem>>)
    %dma_start3A_184 = arith.constant 13 : i32
    %dma_start3A_185 = arith.constant 13 : i32
    %dma_start3A_186 = arith.constant 13 : i32
    %dma_start3A_187 = arith.constant 0 : i32
    %dma_start3A_188 = tpu.memref_slice %arg8[%dma_start3A_185, %dma_start3A_187] : memref<80x128xf32, #tpu.memory_space<vmem>> -> memref<1x128xf32, #tpu.memory_space<vmem>>
    %dma_start3A_189 = tpu.memref_squeeze %dma_start3A_188 : memref<1x128xf32, #tpu.memory_space<vmem>> -> memref<128xf32, #tpu.memory_space<vmem>>
    %dma_start3A_190 = arith.constant 0 : i32
    %dma_start3A_191 = tpu.memref_slice %arg6[%dma_start3A_184, %dma_start3A_190] : memref<80x128xi32, #tpu.memory_space<vmem>> -> memref<1x128xi32, #tpu.memory_space<vmem>>
    %dma_start3A_192 = tpu.memref_squeeze %dma_start3A_191 : memref<1x128xi32, #tpu.memory_space<vmem>> -> memref<128xi32, #tpu.memory_space<vmem>>
    %dma_start3A_193 = arith.constant 0 : i32
    %dma_start3A_194 = tpu.memref_slice %arg11[%dma_start3A_193] : memref<10000xf32, #tpu.memory_space<vmem_shared>> -> memref<10000xf32, #tpu.memory_space<vmem_shared>>
    %dma_start3A_195 = tpu.memref_slice %arg12[%dma_start3A_186] : memref<16x!tpu.dma_semaphore, #tpu.memory_space<semaphore_mem>> -> memref<1x!tpu.dma_semaphore, #tpu.memory_space<semaphore_mem>>
    %dma_start3A_196 = tpu.memref_squeeze %dma_start3A_195 : memref<1x!tpu.dma_semaphore, #tpu.memory_space<semaphore_mem>> -> memref<!tpu.dma_semaphore, #tpu.memory_space<semaphore_mem>>
    tpu.enqueue_indirect_dma source(%dma_start3A_194 : memref<10000xf32, #tpu.memory_space<vmem_shared>>) target(%dma_start3A_189 : memref<128xf32, #tpu.memory_space<vmem>>) offsets(%dma_start3A_192 : memref<128xi32, #tpu.memory_space<vmem>>) semaphore(%dma_start3A_196 : memref<!tpu.dma_semaphore, #tpu.memory_space<semaphore_mem>>)
    %dma_start3A_197 = arith.constant 14 : i32
    %dma_start3A_198 = arith.constant 14 : i32
    %dma_start3A_199 = arith.constant 14 : i32
    %dma_start3A_200 = arith.constant 0 : i32
    %dma_start3A_201 = tpu.memref_slice %arg8[%dma_start3A_198, %dma_start3A_200] : memref<80x128xf32, #tpu.memory_space<vmem>> -> memref<1x128xf32, #tpu.memory_space<vmem>>
    %dma_start3A_202 = tpu.memref_squeeze %dma_start3A_201 : memref<1x128xf32, #tpu.memory_space<vmem>> -> memref<128xf32, #tpu.memory_space<vmem>>
    %dma_start3A_203 = arith.constant 0 : i32
    %dma_start3A_204 = tpu.memref_slice %arg6[%dma_start3A_197, %dma_start3A_203] : memref<80x128xi32, #tpu.memory_space<vmem>> -> memref<1x128xi32, #tpu.memory_space<vmem>>
    %dma_start3A_205 = tpu.memref_squeeze %dma_start3A_204 : memref<1x128xi32, #tpu.memory_space<vmem>> -> memref<128xi32, #tpu.memory_space<vmem>>
    %dma_start3A_206 = arith.constant 0 : i32
    %dma_start3A_207 = tpu.memref_slice %arg11[%dma_start3A_206] : memref<10000xf32, #tpu.memory_space<vmem_shared>> -> memref<10000xf32, #tpu.memory_space<vmem_shared>>
    %dma_start3A_208 = tpu.memref_slice %arg12[%dma_start3A_199] : memref<16x!tpu.dma_semaphore, #tpu.memory_space<semaphore_mem>> -> memref<1x!tpu.dma_semaphore, #tpu.memory_space<semaphore_mem>>
    %dma_start3A_209 = tpu.memref_squeeze %dma_start3A_208 : memref<1x!tpu.dma_semaphore, #tpu.memory_space<semaphore_mem>> -> memref<!tpu.dma_semaphore, #tpu.memory_space<semaphore_mem>>
    tpu.enqueue_indirect_dma source(%dma_start3A_207 : memref<10000xf32, #tpu.memory_space<vmem_shared>>) target(%dma_start3A_202 : memref<128xf32, #tpu.memory_space<vmem>>) offsets(%dma_start3A_205 : memref<128xi32, #tpu.memory_space<vmem>>) semaphore(%dma_start3A_209 : memref<!tpu.dma_semaphore, #tpu.memory_space<semaphore_mem>>)
    %dma_start3A_210 = arith.constant 15 : i32
    %dma_start3A_211 = arith.constant 15 : i32
    %dma_start3A_212 = arith.constant 15 : i32
    %dma_start3A_213 = arith.constant 0 : i32
    %dma_start3A_214 = tpu.memref_slice %arg8[%dma_start3A_211, %dma_start3A_213] : memref<80x128xf32, #tpu.memory_space<vmem>> -> memref<1x128xf32, #tpu.memory_space<vmem>>
    %dma_start3A_215 = tpu.memref_squeeze %dma_start3A_214 : memref<1x128xf32, #tpu.memory_space<vmem>> -> memref<128xf32, #tpu.memory_space<vmem>>
    %dma_start3A_216 = arith.constant 0 : i32
    %dma_start3A_217 = tpu.memref_slice %arg6[%dma_start3A_210, %dma_start3A_216] : memref<80x128xi32, #tpu.memory_space<vmem>> -> memref<1x128xi32, #tpu.memory_space<vmem>>
    %dma_start3A_218 = tpu.memref_squeeze %dma_start3A_217 : memref<1x128xi32, #tpu.memory_space<vmem>> -> memref<128xi32, #tpu.memory_space<vmem>>
    %dma_start3A_219 = arith.constant 0 : i32
    %dma_start3A_220 = tpu.memref_slice %arg11[%dma_start3A_219] : memref<10000xf32, #tpu.memory_space<vmem_shared>> -> memref<10000xf32, #tpu.memory_space<vmem_shared>>
    %dma_start3A_221 = tpu.memref_slice %arg12[%dma_start3A_212] : memref<16x!tpu.dma_semaphore, #tpu.memory_space<semaphore_mem>> -> memref<1x!tpu.dma_semaphore, #tpu.memory_space<semaphore_mem>>
    %dma_start3A_222 = tpu.memref_squeeze %dma_start3A_221 : memref<1x!tpu.dma_semaphore, #tpu.memory_space<semaphore_mem>> -> memref<!tpu.dma_semaphore, #tpu.memory_space<semaphore_mem>>
    tpu.enqueue_indirect_dma source(%dma_start3A_220 : memref<10000xf32, #tpu.memory_space<vmem_shared>>) target(%dma_start3A_215 : memref<128xf32, #tpu.memory_space<vmem>>) offsets(%dma_start3A_218 : memref<128xi32, #tpu.memory_space<vmem>>) semaphore(%dma_start3A_222 : memref<!tpu.dma_semaphore, #tpu.memory_space<semaphore_mem>>)
    %scan3A_223 = arith.constant 0 : i32
    %scan3A_224 = arith.constant 0 : i32
    %scan3A_225 = arith.constant 5 : i32
    %scan3A_226 = arith.addi %scan3A_224, %scan3A_225 : i32
    %scan3A_227 = arith.constant 1 : i32
    scf.for %scan3A_240 = %scan3A_224 to %scan3A_226 step %scan3A_227  : i32 {
      %mul3A_241 = arith.constant 16 : i32
      %mul3A_242 = arith.muli %scan3A_240, %mul3A_241 : i32
      %add3A_243 = arith.constant 0 : i32
      %add3A_244 = arith.addi %mul3A_242, %add3A_243 : i32
      %dma_wait3A = arith.constant 0 : i32
      %dma_wait3A_245 = arith.constant 0 : i32
      %dma_wait3A_246 = tpu.memref_slice %arg8[%add3A_244, %dma_wait3A_245] : memref<80x128xf32, #tpu.memory_space<vmem>> -> memref<1x128xf32, #tpu.memory_space<vmem>>
      %dma_wait3A_247 = tpu.memref_squeeze %dma_wait3A_246 : memref<1x128xf32, #tpu.memory_space<vmem>> -> memref<128xf32, #tpu.memory_space<vmem>>
      %dma_wait3A_248 = arith.constant 0 : i32
      %dma_wait3A_249 = tpu.memref_slice %arg6[%add3A_244, %dma_wait3A_248] : memref<80x128xi32, #tpu.memory_space<vmem>> -> memref<1x128xi32, #tpu.memory_space<vmem>>
      %dma_wait3A_250 = tpu.memref_squeeze %dma_wait3A_249 : memref<1x128xi32, #tpu.memory_space<vmem>> -> memref<128xi32, #tpu.memory_space<vmem>>
      %dma_wait3A_251 = arith.constant 0 : i32
      %dma_wait3A_252 = tpu.memref_slice %arg11[%dma_wait3A_251] : memref<10000xf32, #tpu.memory_space<vmem_shared>> -> memref<10000xf32, #tpu.memory_space<vmem_shared>>
      %dma_wait3A_253 = tpu.memref_slice %arg12[%dma_wait3A] : memref<16x!tpu.dma_semaphore, #tpu.memory_space<semaphore_mem>> -> memref<1x!tpu.dma_semaphore, #tpu.memory_space<semaphore_mem>>
      %dma_wait3A_254 = tpu.memref_squeeze %dma_wait3A_253 : memref<1x!tpu.dma_semaphore, #tpu.memory_space<semaphore_mem>> -> memref<!tpu.dma_semaphore, #tpu.memory_space<semaphore_mem>>
      tpu.wait_indirect_dma semaphore(%dma_wait3A_254 : memref<!tpu.dma_semaphore, #tpu.memory_space<semaphore_mem>>) src(%dma_wait3A_252 : memref<10000xf32, #tpu.memory_space<vmem_shared>>) dst(%dma_wait3A_247 : memref<128xf32, #tpu.memory_space<vmem>>)
      %dma_start3A_255 = arith.constant 0 : i32
      %dma_start3A_256 = tpu.memref_slice %arg8[%add3A_244, %dma_start3A_255] : memref<80x128xf32, #tpu.memory_space<vmem>> -> memref<1x128xf32, #tpu.memory_space<vmem>>
      %dma_start3A_257 = tpu.memref_squeeze %dma_start3A_256 : memref<1x128xf32, #tpu.memory_space<vmem>> -> memref<128xf32, #tpu.memory_space<vmem>>
      %dma_start3A_258 = arith.constant 0 : i32
      %dma_start3A_259 = tpu.memref_slice %arg7[%add3A_244, %dma_start3A_258] : memref<80x128xi32, #tpu.memory_space<vmem>> -> memref<1x128xi32, #tpu.memory_space<vmem>>
      %dma_start3A_260 = tpu.memref_squeeze %dma_start3A_259 : memref<1x128xi32, #tpu.memory_space<vmem>> -> memref<128xi32, #tpu.memory_space<vmem>>
      %dma_start3A_261 = arith.constant 0 : i32
      %dma_start3A_262 = tpu.memref_slice %arg10[%dma_start3A_261] : memref<10240xf32, #tpu.memory_space<vmem_shared>> -> memref<10240xf32, #tpu.memory_space<vmem_shared>>
      tpu.enqueue_indirect_dma source(%dma_start3A_257 : memref<128xf32, #tpu.memory_space<vmem>>) target(%dma_start3A_262 : memref<10240xf32, #tpu.memory_space<vmem_shared>>) offsets(%dma_start3A_260 : memref<128xi32, #tpu.memory_space<vmem>>) semaphore(%arg13 : memref<!tpu.dma_semaphore, #tpu.memory_space<semaphore_mem>>) {add = true}
      %add3A_263 = arith.constant 16 : i32
      %add3A_264 = arith.addi %add3A_244, %add3A_263 : i32
      %lt3A = arith.constant 80 : i32
      %lt3A_265 = arith.cmpi slt, %add3A_264, %lt3A : i32
      %convert_element_type3A_266 = arith.extui %lt3A_265 : i1 to i32
      %cond3A_267 = arith.constant 0 : i32
      %cond3A_268 = arith.cmpi ne, %convert_element_type3A_266, %cond3A_267 : i32
      scf.if %cond3A_268 {
        %dma_start3A_689 = arith.constant 0 : i32
        %dma_start3A_690 = arith.constant 0 : i32
        %dma_start3A_691 = tpu.memref_slice %arg8[%add3A_264, %dma_start3A_690] : memref<80x128xf32, #tpu.memory_space<vmem>> -> memref<1x128xf32, #tpu.memory_space<vmem>>
        %dma_start3A_692 = tpu.memref_squeeze %dma_start3A_691 : memref<1x128xf32, #tpu.memory_space<vmem>> -> memref<128xf32, #tpu.memory_space<vmem>>
        %dma_start3A_693 = arith.constant 0 : i32
        %dma_start3A_694 = tpu.memref_slice %arg6[%add3A_264, %dma_start3A_693] : memref<80x128xi32, #tpu.memory_space<vmem>> -> memref<1x128xi32, #tpu.memory_space<vmem>>
        %dma_start3A_695 = tpu.memref_squeeze %dma_start3A_694 : memref<1x128xi32, #tpu.memory_space<vmem>> -> memref<128xi32, #tpu.memory_space<vmem>>
        %dma_start3A_696 = arith.constant 0 : i32
        %dma_start3A_697 = tpu.memref_slice %arg11[%dma_start3A_696] : memref<10000xf32, #tpu.memory_space<vmem_shared>> -> memref<10000xf32, #tpu.memory_space<vmem_shared>>
        %dma_start3A_698 = tpu.memref_slice %arg12[%dma_start3A_689] : memref<16x!tpu.dma_semaphore, #tpu.memory_space<semaphore_mem>> -> memref<1x!tpu.dma_semaphore, #tpu.memory_space<semaphore_mem>>
        %dma_start3A_699 = tpu.memref_squeeze %dma_start3A_698 : memref<1x!tpu.dma_semaphore, #tpu.memory_space<semaphore_mem>> -> memref<!tpu.dma_semaphore, #tpu.memory_space<semaphore_mem>>
        tpu.enqueue_indirect_dma source(%dma_start3A_697 : memref<10000xf32, #tpu.memory_space<vmem_shared>>) target(%dma_start3A_692 : memref<128xf32, #tpu.memory_space<vmem>>) offsets(%dma_start3A_695 : memref<128xi32, #tpu.memory_space<vmem>>) semaphore(%dma_start3A_699 : memref<!tpu.dma_semaphore, #tpu.memory_space<semaphore_mem>>)
      } else {
      }
      %add3A_269 = arith.constant 1 : i32
      %add3A_270 = arith.addi %mul3A_242, %add3A_269 : i32
      %dma_wait3A_271 = arith.constant 1 : i32
      %dma_wait3A_272 = arith.constant 0 : i32
      %dma_wait3A_273 = tpu.memref_slice %arg8[%add3A_270, %dma_wait3A_272] : memref<80x128xf32, #tpu.memory_space<vmem>> -> memref<1x128xf32, #tpu.memory_space<vmem>>
      %dma_wait3A_274 = tpu.memref_squeeze %dma_wait3A_273 : memref<1x128xf32, #tpu.memory_space<vmem>> -> memref<128xf32, #tpu.memory_space<vmem>>
      %dma_wait3A_275 = arith.constant 0 : i32
      %dma_wait3A_276 = tpu.memref_slice %arg6[%add3A_270, %dma_wait3A_275] : memref<80x128xi32, #tpu.memory_space<vmem>> -> memref<1x128xi32, #tpu.memory_space<vmem>>
      %dma_wait3A_277 = tpu.memref_squeeze %dma_wait3A_276 : memref<1x128xi32, #tpu.memory_space<vmem>> -> memref<128xi32, #tpu.memory_space<vmem>>
      %dma_wait3A_278 = arith.constant 0 : i32
      %dma_wait3A_279 = tpu.memref_slice %arg11[%dma_wait3A_278] : memref<10000xf32, #tpu.memory_space<vmem_shared>> -> memref<10000xf32, #tpu.memory_space<vmem_shared>>
      %dma_wait3A_280 = tpu.memref_slice %arg12[%dma_wait3A_271] : memref<16x!tpu.dma_semaphore, #tpu.memory_space<semaphore_mem>> -> memref<1x!tpu.dma_semaphore, #tpu.memory_space<semaphore_mem>>
      %dma_wait3A_281 = tpu.memref_squeeze %dma_wait3A_280 : memref<1x!tpu.dma_semaphore, #tpu.memory_space<semaphore_mem>> -> memref<!tpu.dma_semaphore, #tpu.memory_space<semaphore_mem>>
      tpu.wait_indirect_dma semaphore(%dma_wait3A_281 : memref<!tpu.dma_semaphore, #tpu.memory_space<semaphore_mem>>) src(%dma_wait3A_279 : memref<10000xf32, #tpu.memory_space<vmem_shared>>) dst(%dma_wait3A_274 : memref<128xf32, #tpu.memory_space<vmem>>)
      %dma_start3A_282 = arith.constant 0 : i32
      %dma_start3A_283 = tpu.memref_slice %arg8[%add3A_270, %dma_start3A_282] : memref<80x128xf32, #tpu.memory_space<vmem>> -> memref<1x128xf32, #tpu.memory_space<vmem>>
      %dma_start3A_284 = tpu.memref_squeeze %dma_start3A_283 : memref<1x128xf32, #tpu.memory_space<vmem>> -> memref<128xf32, #tpu.memory_space<vmem>>
      %dma_start3A_285 = arith.constant 0 : i32
      %dma_start3A_286 = tpu.memref_slice %arg7[%add3A_270, %dma_start3A_285] : memref<80x128xi32, #tpu.memory_space<vmem>> -> memref<1x128xi32, #tpu.memory_space<vmem>>
      %dma_start3A_287 = tpu.memref_squeeze %dma_start3A_286 : memref<1x128xi32, #tpu.memory_space<vmem>> -> memref<128xi32, #tpu.memory_space<vmem>>
      %dma_start3A_288 = arith.constant 0 : i32
      %dma_start3A_289 = tpu.memref_slice %arg10[%dma_start3A_288] : memref<10240xf32, #tpu.memory_space<vmem_shared>> -> memref<10240xf32, #tpu.memory_space<vmem_shared>>
      tpu.enqueue_indirect_dma source(%dma_start3A_284 : memref<128xf32, #tpu.memory_space<vmem>>) target(%dma_start3A_289 : memref<10240xf32, #tpu.memory_space<vmem_shared>>) offsets(%dma_start3A_287 : memref<128xi32, #tpu.memory_space<vmem>>) semaphore(%arg13 : memref<!tpu.dma_semaphore, #tpu.memory_space<semaphore_mem>>) {add = true}
      %add3A_290 = arith.constant 16 : i32
      %add3A_291 = arith.addi %add3A_270, %add3A_290 : i32
      %lt3A_292 = arith.constant 80 : i32
      %lt3A_293 = arith.cmpi slt, %add3A_291, %lt3A_292 : i32
      %convert_element_type3A_294 = arith.extui %lt3A_293 : i1 to i32
      %cond3A_295 = arith.constant 0 : i32
      %cond3A_296 = arith.cmpi ne, %convert_element_type3A_294, %cond3A_295 : i32
      scf.if %cond3A_296 {
        %dma_start3A_689 = arith.constant 1 : i32
        %dma_start3A_690 = arith.constant 0 : i32
        %dma_start3A_691 = tpu.memref_slice %arg8[%add3A_291, %dma_start3A_690] : memref<80x128xf32, #tpu.memory_space<vmem>> -> memref<1x128xf32, #tpu.memory_space<vmem>>
        %dma_start3A_692 = tpu.memref_squeeze %dma_start3A_691 : memref<1x128xf32, #tpu.memory_space<vmem>> -> memref<128xf32, #tpu.memory_space<vmem>>
        %dma_start3A_693 = arith.constant 0 : i32
        %dma_start3A_694 = tpu.memref_slice %arg6[%add3A_291, %dma_start3A_693] : memref<80x128xi32, #tpu.memory_space<vmem>> -> memref<1x128xi32, #tpu.memory_space<vmem>>
        %dma_start3A_695 = tpu.memref_squeeze %dma_start3A_694 : memref<1x128xi32, #tpu.memory_space<vmem>> -> memref<128xi32, #tpu.memory_space<vmem>>
        %dma_start3A_696 = arith.constant 0 : i32
        %dma_start3A_697 = tpu.memref_slice %arg11[%dma_start3A_696] : memref<10000xf32, #tpu.memory_space<vmem_shared>> -> memref<10000xf32, #tpu.memory_space<vmem_shared>>
        %dma_start3A_698 = tpu.memref_slice %arg12[%dma_start3A_689] : memref<16x!tpu.dma_semaphore, #tpu.memory_space<semaphore_mem>> -> memref<1x!tpu.dma_semaphore, #tpu.memory_space<semaphore_mem>>
        %dma_start3A_699 = tpu.memref_squeeze %dma_start3A_698 : memref<1x!tpu.dma_semaphore, #tpu.memory_space<semaphore_mem>> -> memref<!tpu.dma_semaphore, #tpu.memory_space<semaphore_mem>>
        tpu.enqueue_indirect_dma source(%dma_start3A_697 : memref<10000xf32, #tpu.memory_space<vmem_shared>>) target(%dma_start3A_692 : memref<128xf32, #tpu.memory_space<vmem>>) offsets(%dma_start3A_695 : memref<128xi32, #tpu.memory_space<vmem>>) semaphore(%dma_start3A_699 : memref<!tpu.dma_semaphore, #tpu.memory_space<semaphore_mem>>)
      } else {
      }
      %add3A_297 = arith.constant 2 : i32
      %add3A_298 = arith.addi %mul3A_242, %add3A_297 : i32
      %dma_wait3A_299 = arith.constant 2 : i32
      %dma_wait3A_300 = arith.constant 0 : i32
      %dma_wait3A_301 = tpu.memref_slice %arg8[%add3A_298, %dma_wait3A_300] : memref<80x128xf32, #tpu.memory_space<vmem>> -> memref<1x128xf32, #tpu.memory_space<vmem>>
      %dma_wait3A_302 = tpu.memref_squeeze %dma_wait3A_301 : memref<1x128xf32, #tpu.memory_space<vmem>> -> memref<128xf32, #tpu.memory_space<vmem>>
      %dma_wait3A_303 = arith.constant 0 : i32
      %dma_wait3A_304 = tpu.memref_slice %arg6[%add3A_298, %dma_wait3A_303] : memref<80x128xi32, #tpu.memory_space<vmem>> -> memref<1x128xi32, #tpu.memory_space<vmem>>
      %dma_wait3A_305 = tpu.memref_squeeze %dma_wait3A_304 : memref<1x128xi32, #tpu.memory_space<vmem>> -> memref<128xi32, #tpu.memory_space<vmem>>
      %dma_wait3A_306 = arith.constant 0 : i32
      %dma_wait3A_307 = tpu.memref_slice %arg11[%dma_wait3A_306] : memref<10000xf32, #tpu.memory_space<vmem_shared>> -> memref<10000xf32, #tpu.memory_space<vmem_shared>>
      %dma_wait3A_308 = tpu.memref_slice %arg12[%dma_wait3A_299] : memref<16x!tpu.dma_semaphore, #tpu.memory_space<semaphore_mem>> -> memref<1x!tpu.dma_semaphore, #tpu.memory_space<semaphore_mem>>
      %dma_wait3A_309 = tpu.memref_squeeze %dma_wait3A_308 : memref<1x!tpu.dma_semaphore, #tpu.memory_space<semaphore_mem>> -> memref<!tpu.dma_semaphore, #tpu.memory_space<semaphore_mem>>
      tpu.wait_indirect_dma semaphore(%dma_wait3A_309 : memref<!tpu.dma_semaphore, #tpu.memory_space<semaphore_mem>>) src(%dma_wait3A_307 : memref<10000xf32, #tpu.memory_space<vmem_shared>>) dst(%dma_wait3A_302 : memref<128xf32, #tpu.memory_space<vmem>>)
      %dma_start3A_310 = arith.constant 0 : i32
      %dma_start3A_311 = tpu.memref_slice %arg8[%add3A_298, %dma_start3A_310] : memref<80x128xf32, #tpu.memory_space<vmem>> -> memref<1x128xf32, #tpu.memory_space<vmem>>
      %dma_start3A_312 = tpu.memref_squeeze %dma_start3A_311 : memref<1x128xf32, #tpu.memory_space<vmem>> -> memref<128xf32, #tpu.memory_space<vmem>>
      %dma_start3A_313 = arith.constant 0 : i32
      %dma_start3A_314 = tpu.memref_slice %arg7[%add3A_298, %dma_start3A_313] : memref<80x128xi32, #tpu.memory_space<vmem>> -> memref<1x128xi32, #tpu.memory_space<vmem>>
      %dma_start3A_315 = tpu.memref_squeeze %dma_start3A_314 : memref<1x128xi32, #tpu.memory_space<vmem>> -> memref<128xi32, #tpu.memory_space<vmem>>
      %dma_start3A_316 = arith.constant 0 : i32
      %dma_start3A_317 = tpu.memref_slice %arg10[%dma_start3A_316] : memref<10240xf32, #tpu.memory_space<vmem_shared>> -> memref<10240xf32, #tpu.memory_space<vmem_shared>>
      tpu.enqueue_indirect_dma source(%dma_start3A_312 : memref<128xf32, #tpu.memory_space<vmem>>) target(%dma_start3A_317 : memref<10240xf32, #tpu.memory_space<vmem_shared>>) offsets(%dma_start3A_315 : memref<128xi32, #tpu.memory_space<vmem>>) semaphore(%arg13 : memref<!tpu.dma_semaphore, #tpu.memory_space<semaphore_mem>>) {add = true}
      %add3A_318 = arith.constant 16 : i32
      %add3A_319 = arith.addi %add3A_298, %add3A_318 : i32
      %lt3A_320 = arith.constant 80 : i32
      %lt3A_321 = arith.cmpi slt, %add3A_319, %lt3A_320 : i32
      %convert_element_type3A_322 = arith.extui %lt3A_321 : i1 to i32
      %cond3A_323 = arith.constant 0 : i32
      %cond3A_324 = arith.cmpi ne, %convert_element_type3A_322, %cond3A_323 : i32
      scf.if %cond3A_324 {
        %dma_start3A_689 = arith.constant 2 : i32
        %dma_start3A_690 = arith.constant 0 : i32
        %dma_start3A_691 = tpu.memref_slice %arg8[%add3A_319, %dma_start3A_690] : memref<80x128xf32, #tpu.memory_space<vmem>> -> memref<1x128xf32, #tpu.memory_space<vmem>>
        %dma_start3A_692 = tpu.memref_squeeze %dma_start3A_691 : memref<1x128xf32, #tpu.memory_space<vmem>> -> memref<128xf32, #tpu.memory_space<vmem>>
        %dma_start3A_693 = arith.constant 0 : i32
        %dma_start3A_694 = tpu.memref_slice %arg6[%add3A_319, %dma_start3A_693] : memref<80x128xi32, #tpu.memory_space<vmem>> -> memref<1x128xi32, #tpu.memory_space<vmem>>
        %dma_start3A_695 = tpu.memref_squeeze %dma_start3A_694 : memref<1x128xi32, #tpu.memory_space<vmem>> -> memref<128xi32, #tpu.memory_space<vmem>>
        %dma_start3A_696 = arith.constant 0 : i32
        %dma_start3A_697 = tpu.memref_slice %arg11[%dma_start3A_696] : memref<10000xf32, #tpu.memory_space<vmem_shared>> -> memref<10000xf32, #tpu.memory_space<vmem_shared>>
        %dma_start3A_698 = tpu.memref_slice %arg12[%dma_start3A_689] : memref<16x!tpu.dma_semaphore, #tpu.memory_space<semaphore_mem>> -> memref<1x!tpu.dma_semaphore, #tpu.memory_space<semaphore_mem>>
        %dma_start3A_699 = tpu.memref_squeeze %dma_start3A_698 : memref<1x!tpu.dma_semaphore, #tpu.memory_space<semaphore_mem>> -> memref<!tpu.dma_semaphore, #tpu.memory_space<semaphore_mem>>
        tpu.enqueue_indirect_dma source(%dma_start3A_697 : memref<10000xf32, #tpu.memory_space<vmem_shared>>) target(%dma_start3A_692 : memref<128xf32, #tpu.memory_space<vmem>>) offsets(%dma_start3A_695 : memref<128xi32, #tpu.memory_space<vmem>>) semaphore(%dma_start3A_699 : memref<!tpu.dma_semaphore, #tpu.memory_space<semaphore_mem>>)
      } else {
      }
      %add3A_325 = arith.constant 3 : i32
      %add3A_326 = arith.addi %mul3A_242, %add3A_325 : i32
      %dma_wait3A_327 = arith.constant 3 : i32
      %dma_wait3A_328 = arith.constant 0 : i32
      %dma_wait3A_329 = tpu.memref_slice %arg8[%add3A_326, %dma_wait3A_328] : memref<80x128xf32, #tpu.memory_space<vmem>> -> memref<1x128xf32, #tpu.memory_space<vmem>>
      %dma_wait3A_330 = tpu.memref_squeeze %dma_wait3A_329 : memref<1x128xf32, #tpu.memory_space<vmem>> -> memref<128xf32, #tpu.memory_space<vmem>>
      %dma_wait3A_331 = arith.constant 0 : i32
      %dma_wait3A_332 = tpu.memref_slice %arg6[%add3A_326, %dma_wait3A_331] : memref<80x128xi32, #tpu.memory_space<vmem>> -> memref<1x128xi32, #tpu.memory_space<vmem>>
      %dma_wait3A_333 = tpu.memref_squeeze %dma_wait3A_332 : memref<1x128xi32, #tpu.memory_space<vmem>> -> memref<128xi32, #tpu.memory_space<vmem>>
      %dma_wait3A_334 = arith.constant 0 : i32
      %dma_wait3A_335 = tpu.memref_slice %arg11[%dma_wait3A_334] : memref<10000xf32, #tpu.memory_space<vmem_shared>> -> memref<10000xf32, #tpu.memory_space<vmem_shared>>
      %dma_wait3A_336 = tpu.memref_slice %arg12[%dma_wait3A_327] : memref<16x!tpu.dma_semaphore, #tpu.memory_space<semaphore_mem>> -> memref<1x!tpu.dma_semaphore, #tpu.memory_space<semaphore_mem>>
      %dma_wait3A_337 = tpu.memref_squeeze %dma_wait3A_336 : memref<1x!tpu.dma_semaphore, #tpu.memory_space<semaphore_mem>> -> memref<!tpu.dma_semaphore, #tpu.memory_space<semaphore_mem>>
      tpu.wait_indirect_dma semaphore(%dma_wait3A_337 : memref<!tpu.dma_semaphore, #tpu.memory_space<semaphore_mem>>) src(%dma_wait3A_335 : memref<10000xf32, #tpu.memory_space<vmem_shared>>) dst(%dma_wait3A_330 : memref<128xf32, #tpu.memory_space<vmem>>)
      %dma_start3A_338 = arith.constant 0 : i32
      %dma_start3A_339 = tpu.memref_slice %arg8[%add3A_326, %dma_start3A_338] : memref<80x128xf32, #tpu.memory_space<vmem>> -> memref<1x128xf32, #tpu.memory_space<vmem>>
      %dma_start3A_340 = tpu.memref_squeeze %dma_start3A_339 : memref<1x128xf32, #tpu.memory_space<vmem>> -> memref<128xf32, #tpu.memory_space<vmem>>
      %dma_start3A_341 = arith.constant 0 : i32
      %dma_start3A_342 = tpu.memref_slice %arg7[%add3A_326, %dma_start3A_341] : memref<80x128xi32, #tpu.memory_space<vmem>> -> memref<1x128xi32, #tpu.memory_space<vmem>>
      %dma_start3A_343 = tpu.memref_squeeze %dma_start3A_342 : memref<1x128xi32, #tpu.memory_space<vmem>> -> memref<128xi32, #tpu.memory_space<vmem>>
      %dma_start3A_344 = arith.constant 0 : i32
      %dma_start3A_345 = tpu.memref_slice %arg10[%dma_start3A_344] : memref<10240xf32, #tpu.memory_space<vmem_shared>> -> memref<10240xf32, #tpu.memory_space<vmem_shared>>
      tpu.enqueue_indirect_dma source(%dma_start3A_340 : memref<128xf32, #tpu.memory_space<vmem>>) target(%dma_start3A_345 : memref<10240xf32, #tpu.memory_space<vmem_shared>>) offsets(%dma_start3A_343 : memref<128xi32, #tpu.memory_space<vmem>>) semaphore(%arg13 : memref<!tpu.dma_semaphore, #tpu.memory_space<semaphore_mem>>) {add = true}
      %add3A_346 = arith.constant 16 : i32
      %add3A_347 = arith.addi %add3A_326, %add3A_346 : i32
      %lt3A_348 = arith.constant 80 : i32
      %lt3A_349 = arith.cmpi slt, %add3A_347, %lt3A_348 : i32
      %convert_element_type3A_350 = arith.extui %lt3A_349 : i1 to i32
      %cond3A_351 = arith.constant 0 : i32
      %cond3A_352 = arith.cmpi ne, %convert_element_type3A_350, %cond3A_351 : i32
      scf.if %cond3A_352 {
        %dma_start3A_689 = arith.constant 3 : i32
        %dma_start3A_690 = arith.constant 0 : i32
        %dma_start3A_691 = tpu.memref_slice %arg8[%add3A_347, %dma_start3A_690] : memref<80x128xf32, #tpu.memory_space<vmem>> -> memref<1x128xf32, #tpu.memory_space<vmem>>
        %dma_start3A_692 = tpu.memref_squeeze %dma_start3A_691 : memref<1x128xf32, #tpu.memory_space<vmem>> -> memref<128xf32, #tpu.memory_space<vmem>>
        %dma_start3A_693 = arith.constant 0 : i32
        %dma_start3A_694 = tpu.memref_slice %arg6[%add3A_347, %dma_start3A_693] : memref<80x128xi32, #tpu.memory_space<vmem>> -> memref<1x128xi32, #tpu.memory_space<vmem>>
        %dma_start3A_695 = tpu.memref_squeeze %dma_start3A_694 : memref<1x128xi32, #tpu.memory_space<vmem>> -> memref<128xi32, #tpu.memory_space<vmem>>
        %dma_start3A_696 = arith.constant 0 : i32
        %dma_start3A_697 = tpu.memref_slice %arg11[%dma_start3A_696] : memref<10000xf32, #tpu.memory_space<vmem_shared>> -> memref<10000xf32, #tpu.memory_space<vmem_shared>>
        %dma_start3A_698 = tpu.memref_slice %arg12[%dma_start3A_689] : memref<16x!tpu.dma_semaphore, #tpu.memory_space<semaphore_mem>> -> memref<1x!tpu.dma_semaphore, #tpu.memory_space<semaphore_mem>>
        %dma_start3A_699 = tpu.memref_squeeze %dma_start3A_698 : memref<1x!tpu.dma_semaphore, #tpu.memory_space<semaphore_mem>> -> memref<!tpu.dma_semaphore, #tpu.memory_space<semaphore_mem>>
        tpu.enqueue_indirect_dma source(%dma_start3A_697 : memref<10000xf32, #tpu.memory_space<vmem_shared>>) target(%dma_start3A_692 : memref<128xf32, #tpu.memory_space<vmem>>) offsets(%dma_start3A_695 : memref<128xi32, #tpu.memory_space<vmem>>) semaphore(%dma_start3A_699 : memref<!tpu.dma_semaphore, #tpu.memory_space<semaphore_mem>>)
      } else {
      }
      %add3A_353 = arith.constant 4 : i32
      %add3A_354 = arith.addi %mul3A_242, %add3A_353 : i32
      %dma_wait3A_355 = arith.constant 4 : i32
      %dma_wait3A_356 = arith.constant 0 : i32
      %dma_wait3A_357 = tpu.memref_slice %arg8[%add3A_354, %dma_wait3A_356] : memref<80x128xf32, #tpu.memory_space<vmem>> -> memref<1x128xf32, #tpu.memory_space<vmem>>
      %dma_wait3A_358 = tpu.memref_squeeze %dma_wait3A_357 : memref<1x128xf32, #tpu.memory_space<vmem>> -> memref<128xf32, #tpu.memory_space<vmem>>
      %dma_wait3A_359 = arith.constant 0 : i32
      %dma_wait3A_360 = tpu.memref_slice %arg6[%add3A_354, %dma_wait3A_359] : memref<80x128xi32, #tpu.memory_space<vmem>> -> memref<1x128xi32, #tpu.memory_space<vmem>>
      %dma_wait3A_361 = tpu.memref_squeeze %dma_wait3A_360 : memref<1x128xi32, #tpu.memory_space<vmem>> -> memref<128xi32, #tpu.memory_space<vmem>>
      %dma_wait3A_362 = arith.constant 0 : i32
      %dma_wait3A_363 = tpu.memref_slice %arg11[%dma_wait3A_362] : memref<10000xf32, #tpu.memory_space<vmem_shared>> -> memref<10000xf32, #tpu.memory_space<vmem_shared>>
      %dma_wait3A_364 = tpu.memref_slice %arg12[%dma_wait3A_355] : memref<16x!tpu.dma_semaphore, #tpu.memory_space<semaphore_mem>> -> memref<1x!tpu.dma_semaphore, #tpu.memory_space<semaphore_mem>>
      %dma_wait3A_365 = tpu.memref_squeeze %dma_wait3A_364 : memref<1x!tpu.dma_semaphore, #tpu.memory_space<semaphore_mem>> -> memref<!tpu.dma_semaphore, #tpu.memory_space<semaphore_mem>>
      tpu.wait_indirect_dma semaphore(%dma_wait3A_365 : memref<!tpu.dma_semaphore, #tpu.memory_space<semaphore_mem>>) src(%dma_wait3A_363 : memref<10000xf32, #tpu.memory_space<vmem_shared>>) dst(%dma_wait3A_358 : memref<128xf32, #tpu.memory_space<vmem>>)
      %dma_start3A_366 = arith.constant 0 : i32
      %dma_start3A_367 = tpu.memref_slice %arg8[%add3A_354, %dma_start3A_366] : memref<80x128xf32, #tpu.memory_space<vmem>> -> memref<1x128xf32, #tpu.memory_space<vmem>>
      %dma_start3A_368 = tpu.memref_squeeze %dma_start3A_367 : memref<1x128xf32, #tpu.memory_space<vmem>> -> memref<128xf32, #tpu.memory_space<vmem>>
      %dma_start3A_369 = arith.constant 0 : i32
      %dma_start3A_370 = tpu.memref_slice %arg7[%add3A_354, %dma_start3A_369] : memref<80x128xi32, #tpu.memory_space<vmem>> -> memref<1x128xi32, #tpu.memory_space<vmem>>
      %dma_start3A_371 = tpu.memref_squeeze %dma_start3A_370 : memref<1x128xi32, #tpu.memory_space<vmem>> -> memref<128xi32, #tpu.memory_space<vmem>>
      %dma_start3A_372 = arith.constant 0 : i32
      %dma_start3A_373 = tpu.memref_slice %arg10[%dma_start3A_372] : memref<10240xf32, #tpu.memory_space<vmem_shared>> -> memref<10240xf32, #tpu.memory_space<vmem_shared>>
      tpu.enqueue_indirect_dma source(%dma_start3A_368 : memref<128xf32, #tpu.memory_space<vmem>>) target(%dma_start3A_373 : memref<10240xf32, #tpu.memory_space<vmem_shared>>) offsets(%dma_start3A_371 : memref<128xi32, #tpu.memory_space<vmem>>) semaphore(%arg13 : memref<!tpu.dma_semaphore, #tpu.memory_space<semaphore_mem>>) {add = true}
      %add3A_374 = arith.constant 16 : i32
      %add3A_375 = arith.addi %add3A_354, %add3A_374 : i32
      %lt3A_376 = arith.constant 80 : i32
      %lt3A_377 = arith.cmpi slt, %add3A_375, %lt3A_376 : i32
      %convert_element_type3A_378 = arith.extui %lt3A_377 : i1 to i32
      %cond3A_379 = arith.constant 0 : i32
      %cond3A_380 = arith.cmpi ne, %convert_element_type3A_378, %cond3A_379 : i32
      scf.if %cond3A_380 {
        %dma_start3A_689 = arith.constant 4 : i32
        %dma_start3A_690 = arith.constant 0 : i32
        %dma_start3A_691 = tpu.memref_slice %arg8[%add3A_375, %dma_start3A_690] : memref<80x128xf32, #tpu.memory_space<vmem>> -> memref<1x128xf32, #tpu.memory_space<vmem>>
        %dma_start3A_692 = tpu.memref_squeeze %dma_start3A_691 : memref<1x128xf32, #tpu.memory_space<vmem>> -> memref<128xf32, #tpu.memory_space<vmem>>
        %dma_start3A_693 = arith.constant 0 : i32
        %dma_start3A_694 = tpu.memref_slice %arg6[%add3A_375, %dma_start3A_693] : memref<80x128xi32, #tpu.memory_space<vmem>> -> memref<1x128xi32, #tpu.memory_space<vmem>>
        %dma_start3A_695 = tpu.memref_squeeze %dma_start3A_694 : memref<1x128xi32, #tpu.memory_space<vmem>> -> memref<128xi32, #tpu.memory_space<vmem>>
        %dma_start3A_696 = arith.constant 0 : i32
        %dma_start3A_697 = tpu.memref_slice %arg11[%dma_start3A_696] : memref<10000xf32, #tpu.memory_space<vmem_shared>> -> memref<10000xf32, #tpu.memory_space<vmem_shared>>
        %dma_start3A_698 = tpu.memref_slice %arg12[%dma_start3A_689] : memref<16x!tpu.dma_semaphore, #tpu.memory_space<semaphore_mem>> -> memref<1x!tpu.dma_semaphore, #tpu.memory_space<semaphore_mem>>
        %dma_start3A_699 = tpu.memref_squeeze %dma_start3A_698 : memref<1x!tpu.dma_semaphore, #tpu.memory_space<semaphore_mem>> -> memref<!tpu.dma_semaphore, #tpu.memory_space<semaphore_mem>>
        tpu.enqueue_indirect_dma source(%dma_start3A_697 : memref<10000xf32, #tpu.memory_space<vmem_shared>>) target(%dma_start3A_692 : memref<128xf32, #tpu.memory_space<vmem>>) offsets(%dma_start3A_695 : memref<128xi32, #tpu.memory_space<vmem>>) semaphore(%dma_start3A_699 : memref<!tpu.dma_semaphore, #tpu.memory_space<semaphore_mem>>)
      } else {
      }
      %add3A_381 = arith.constant 5 : i32
      %add3A_382 = arith.addi %mul3A_242, %add3A_381 : i32
      %dma_wait3A_383 = arith.constant 5 : i32
      %dma_wait3A_384 = arith.constant 0 : i32
      %dma_wait3A_385 = tpu.memref_slice %arg8[%add3A_382, %dma_wait3A_384] : memref<80x128xf32, #tpu.memory_space<vmem>> -> memref<1x128xf32, #tpu.memory_space<vmem>>
      %dma_wait3A_386 = tpu.memref_squeeze %dma_wait3A_385 : memref<1x128xf32, #tpu.memory_space<vmem>> -> memref<128xf32, #tpu.memory_space<vmem>>
      %dma_wait3A_387 = arith.constant 0 : i32
      %dma_wait3A_388 = tpu.memref_slice %arg6[%add3A_382, %dma_wait3A_387] : memref<80x128xi32, #tpu.memory_space<vmem>> -> memref<1x128xi32, #tpu.memory_space<vmem>>
      %dma_wait3A_389 = tpu.memref_squeeze %dma_wait3A_388 : memref<1x128xi32, #tpu.memory_space<vmem>> -> memref<128xi32, #tpu.memory_space<vmem>>
      %dma_wait3A_390 = arith.constant 0 : i32
      %dma_wait3A_391 = tpu.memref_slice %arg11[%dma_wait3A_390] : memref<10000xf32, #tpu.memory_space<vmem_shared>> -> memref<10000xf32, #tpu.memory_space<vmem_shared>>
      %dma_wait3A_392 = tpu.memref_slice %arg12[%dma_wait3A_383] : memref<16x!tpu.dma_semaphore, #tpu.memory_space<semaphore_mem>> -> memref<1x!tpu.dma_semaphore, #tpu.memory_space<semaphore_mem>>
      %dma_wait3A_393 = tpu.memref_squeeze %dma_wait3A_392 : memref<1x!tpu.dma_semaphore, #tpu.memory_space<semaphore_mem>> -> memref<!tpu.dma_semaphore, #tpu.memory_space<semaphore_mem>>
      tpu.wait_indirect_dma semaphore(%dma_wait3A_393 : memref<!tpu.dma_semaphore, #tpu.memory_space<semaphore_mem>>) src(%dma_wait3A_391 : memref<10000xf32, #tpu.memory_space<vmem_shared>>) dst(%dma_wait3A_386 : memref<128xf32, #tpu.memory_space<vmem>>)
      %dma_start3A_394 = arith.constant 0 : i32
      %dma_start3A_395 = tpu.memref_slice %arg8[%add3A_382, %dma_start3A_394] : memref<80x128xf32, #tpu.memory_space<vmem>> -> memref<1x128xf32, #tpu.memory_space<vmem>>
      %dma_start3A_396 = tpu.memref_squeeze %dma_start3A_395 : memref<1x128xf32, #tpu.memory_space<vmem>> -> memref<128xf32, #tpu.memory_space<vmem>>
      %dma_start3A_397 = arith.constant 0 : i32
      %dma_start3A_398 = tpu.memref_slice %arg7[%add3A_382, %dma_start3A_397] : memref<80x128xi32, #tpu.memory_space<vmem>> -> memref<1x128xi32, #tpu.memory_space<vmem>>
      %dma_start3A_399 = tpu.memref_squeeze %dma_start3A_398 : memref<1x128xi32, #tpu.memory_space<vmem>> -> memref<128xi32, #tpu.memory_space<vmem>>
      %dma_start3A_400 = arith.constant 0 : i32
      %dma_start3A_401 = tpu.memref_slice %arg10[%dma_start3A_400] : memref<10240xf32, #tpu.memory_space<vmem_shared>> -> memref<10240xf32, #tpu.memory_space<vmem_shared>>
      tpu.enqueue_indirect_dma source(%dma_start3A_396 : memref<128xf32, #tpu.memory_space<vmem>>) target(%dma_start3A_401 : memref<10240xf32, #tpu.memory_space<vmem_shared>>) offsets(%dma_start3A_399 : memref<128xi32, #tpu.memory_space<vmem>>) semaphore(%arg13 : memref<!tpu.dma_semaphore, #tpu.memory_space<semaphore_mem>>) {add = true}
      %add3A_402 = arith.constant 16 : i32
      %add3A_403 = arith.addi %add3A_382, %add3A_402 : i32
      %lt3A_404 = arith.constant 80 : i32
      %lt3A_405 = arith.cmpi slt, %add3A_403, %lt3A_404 : i32
      %convert_element_type3A_406 = arith.extui %lt3A_405 : i1 to i32
      %cond3A_407 = arith.constant 0 : i32
      %cond3A_408 = arith.cmpi ne, %convert_element_type3A_406, %cond3A_407 : i32
      scf.if %cond3A_408 {
        %dma_start3A_689 = arith.constant 5 : i32
        %dma_start3A_690 = arith.constant 0 : i32
        %dma_start3A_691 = tpu.memref_slice %arg8[%add3A_403, %dma_start3A_690] : memref<80x128xf32, #tpu.memory_space<vmem>> -> memref<1x128xf32, #tpu.memory_space<vmem>>
        %dma_start3A_692 = tpu.memref_squeeze %dma_start3A_691 : memref<1x128xf32, #tpu.memory_space<vmem>> -> memref<128xf32, #tpu.memory_space<vmem>>
        %dma_start3A_693 = arith.constant 0 : i32
        %dma_start3A_694 = tpu.memref_slice %arg6[%add3A_403, %dma_start3A_693] : memref<80x128xi32, #tpu.memory_space<vmem>> -> memref<1x128xi32, #tpu.memory_space<vmem>>
        %dma_start3A_695 = tpu.memref_squeeze %dma_start3A_694 : memref<1x128xi32, #tpu.memory_space<vmem>> -> memref<128xi32, #tpu.memory_space<vmem>>
        %dma_start3A_696 = arith.constant 0 : i32
        %dma_start3A_697 = tpu.memref_slice %arg11[%dma_start3A_696] : memref<10000xf32, #tpu.memory_space<vmem_shared>> -> memref<10000xf32, #tpu.memory_space<vmem_shared>>
        %dma_start3A_698 = tpu.memref_slice %arg12[%dma_start3A_689] : memref<16x!tpu.dma_semaphore, #tpu.memory_space<semaphore_mem>> -> memref<1x!tpu.dma_semaphore, #tpu.memory_space<semaphore_mem>>
        %dma_start3A_699 = tpu.memref_squeeze %dma_start3A_698 : memref<1x!tpu.dma_semaphore, #tpu.memory_space<semaphore_mem>> -> memref<!tpu.dma_semaphore, #tpu.memory_space<semaphore_mem>>
        tpu.enqueue_indirect_dma source(%dma_start3A_697 : memref<10000xf32, #tpu.memory_space<vmem_shared>>) target(%dma_start3A_692 : memref<128xf32, #tpu.memory_space<vmem>>) offsets(%dma_start3A_695 : memref<128xi32, #tpu.memory_space<vmem>>) semaphore(%dma_start3A_699 : memref<!tpu.dma_semaphore, #tpu.memory_space<semaphore_mem>>)
      } else {
      }
      %add3A_409 = arith.constant 6 : i32
      %add3A_410 = arith.addi %mul3A_242, %add3A_409 : i32
      %dma_wait3A_411 = arith.constant 6 : i32
      %dma_wait3A_412 = arith.constant 0 : i32
      %dma_wait3A_413 = tpu.memref_slice %arg8[%add3A_410, %dma_wait3A_412] : memref<80x128xf32, #tpu.memory_space<vmem>> -> memref<1x128xf32, #tpu.memory_space<vmem>>
      %dma_wait3A_414 = tpu.memref_squeeze %dma_wait3A_413 : memref<1x128xf32, #tpu.memory_space<vmem>> -> memref<128xf32, #tpu.memory_space<vmem>>
      %dma_wait3A_415 = arith.constant 0 : i32
      %dma_wait3A_416 = tpu.memref_slice %arg6[%add3A_410, %dma_wait3A_415] : memref<80x128xi32, #tpu.memory_space<vmem>> -> memref<1x128xi32, #tpu.memory_space<vmem>>
      %dma_wait3A_417 = tpu.memref_squeeze %dma_wait3A_416 : memref<1x128xi32, #tpu.memory_space<vmem>> -> memref<128xi32, #tpu.memory_space<vmem>>
      %dma_wait3A_418 = arith.constant 0 : i32
      %dma_wait3A_419 = tpu.memref_slice %arg11[%dma_wait3A_418] : memref<10000xf32, #tpu.memory_space<vmem_shared>> -> memref<10000xf32, #tpu.memory_space<vmem_shared>>
      %dma_wait3A_420 = tpu.memref_slice %arg12[%dma_wait3A_411] : memref<16x!tpu.dma_semaphore, #tpu.memory_space<semaphore_mem>> -> memref<1x!tpu.dma_semaphore, #tpu.memory_space<semaphore_mem>>
      %dma_wait3A_421 = tpu.memref_squeeze %dma_wait3A_420 : memref<1x!tpu.dma_semaphore, #tpu.memory_space<semaphore_mem>> -> memref<!tpu.dma_semaphore, #tpu.memory_space<semaphore_mem>>
      tpu.wait_indirect_dma semaphore(%dma_wait3A_421 : memref<!tpu.dma_semaphore, #tpu.memory_space<semaphore_mem>>) src(%dma_wait3A_419 : memref<10000xf32, #tpu.memory_space<vmem_shared>>) dst(%dma_wait3A_414 : memref<128xf32, #tpu.memory_space<vmem>>)
      %dma_start3A_422 = arith.constant 0 : i32
      %dma_start3A_423 = tpu.memref_slice %arg8[%add3A_410, %dma_start3A_422] : memref<80x128xf32, #tpu.memory_space<vmem>> -> memref<1x128xf32, #tpu.memory_space<vmem>>
      %dma_start3A_424 = tpu.memref_squeeze %dma_start3A_423 : memref<1x128xf32, #tpu.memory_space<vmem>> -> memref<128xf32, #tpu.memory_space<vmem>>
      %dma_start3A_425 = arith.constant 0 : i32
      %dma_start3A_426 = tpu.memref_slice %arg7[%add3A_410, %dma_start3A_425] : memref<80x128xi32, #tpu.memory_space<vmem>> -> memref<1x128xi32, #tpu.memory_space<vmem>>
      %dma_start3A_427 = tpu.memref_squeeze %dma_start3A_426 : memref<1x128xi32, #tpu.memory_space<vmem>> -> memref<128xi32, #tpu.memory_space<vmem>>
      %dma_start3A_428 = arith.constant 0 : i32
      %dma_start3A_429 = tpu.memref_slice %arg10[%dma_start3A_428] : memref<10240xf32, #tpu.memory_space<vmem_shared>> -> memref<10240xf32, #tpu.memory_space<vmem_shared>>
      tpu.enqueue_indirect_dma source(%dma_start3A_424 : memref<128xf32, #tpu.memory_space<vmem>>) target(%dma_start3A_429 : memref<10240xf32, #tpu.memory_space<vmem_shared>>) offsets(%dma_start3A_427 : memref<128xi32, #tpu.memory_space<vmem>>) semaphore(%arg13 : memref<!tpu.dma_semaphore, #tpu.memory_space<semaphore_mem>>) {add = true}
      %add3A_430 = arith.constant 16 : i32
      %add3A_431 = arith.addi %add3A_410, %add3A_430 : i32
      %lt3A_432 = arith.constant 80 : i32
      %lt3A_433 = arith.cmpi slt, %add3A_431, %lt3A_432 : i32
      %convert_element_type3A_434 = arith.extui %lt3A_433 : i1 to i32
      %cond3A_435 = arith.constant 0 : i32
      %cond3A_436 = arith.cmpi ne, %convert_element_type3A_434, %cond3A_435 : i32
      scf.if %cond3A_436 {
        %dma_start3A_689 = arith.constant 6 : i32
        %dma_start3A_690 = arith.constant 0 : i32
        %dma_start3A_691 = tpu.memref_slice %arg8[%add3A_431, %dma_start3A_690] : memref<80x128xf32, #tpu.memory_space<vmem>> -> memref<1x128xf32, #tpu.memory_space<vmem>>
        %dma_start3A_692 = tpu.memref_squeeze %dma_start3A_691 : memref<1x128xf32, #tpu.memory_space<vmem>> -> memref<128xf32, #tpu.memory_space<vmem>>
        %dma_start3A_693 = arith.constant 0 : i32
        %dma_start3A_694 = tpu.memref_slice %arg6[%add3A_431, %dma_start3A_693] : memref<80x128xi32, #tpu.memory_space<vmem>> -> memref<1x128xi32, #tpu.memory_space<vmem>>
        %dma_start3A_695 = tpu.memref_squeeze %dma_start3A_694 : memref<1x128xi32, #tpu.memory_space<vmem>> -> memref<128xi32, #tpu.memory_space<vmem>>
        %dma_start3A_696 = arith.constant 0 : i32
        %dma_start3A_697 = tpu.memref_slice %arg11[%dma_start3A_696] : memref<10000xf32, #tpu.memory_space<vmem_shared>> -> memref<10000xf32, #tpu.memory_space<vmem_shared>>
        %dma_start3A_698 = tpu.memref_slice %arg12[%dma_start3A_689] : memref<16x!tpu.dma_semaphore, #tpu.memory_space<semaphore_mem>> -> memref<1x!tpu.dma_semaphore, #tpu.memory_space<semaphore_mem>>
        %dma_start3A_699 = tpu.memref_squeeze %dma_start3A_698 : memref<1x!tpu.dma_semaphore, #tpu.memory_space<semaphore_mem>> -> memref<!tpu.dma_semaphore, #tpu.memory_space<semaphore_mem>>
        tpu.enqueue_indirect_dma source(%dma_start3A_697 : memref<10000xf32, #tpu.memory_space<vmem_shared>>) target(%dma_start3A_692 : memref<128xf32, #tpu.memory_space<vmem>>) offsets(%dma_start3A_695 : memref<128xi32, #tpu.memory_space<vmem>>) semaphore(%dma_start3A_699 : memref<!tpu.dma_semaphore, #tpu.memory_space<semaphore_mem>>)
      } else {
      }
      %add3A_437 = arith.constant 7 : i32
      %add3A_438 = arith.addi %mul3A_242, %add3A_437 : i32
      %dma_wait3A_439 = arith.constant 7 : i32
      %dma_wait3A_440 = arith.constant 0 : i32
      %dma_wait3A_441 = tpu.memref_slice %arg8[%add3A_438, %dma_wait3A_440] : memref<80x128xf32, #tpu.memory_space<vmem>> -> memref<1x128xf32, #tpu.memory_space<vmem>>
      %dma_wait3A_442 = tpu.memref_squeeze %dma_wait3A_441 : memref<1x128xf32, #tpu.memory_space<vmem>> -> memref<128xf32, #tpu.memory_space<vmem>>
      %dma_wait3A_443 = arith.constant 0 : i32
      %dma_wait3A_444 = tpu.memref_slice %arg6[%add3A_438, %dma_wait3A_443] : memref<80x128xi32, #tpu.memory_space<vmem>> -> memref<1x128xi32, #tpu.memory_space<vmem>>
      %dma_wait3A_445 = tpu.memref_squeeze %dma_wait3A_444 : memref<1x128xi32, #tpu.memory_space<vmem>> -> memref<128xi32, #tpu.memory_space<vmem>>
      %dma_wait3A_446 = arith.constant 0 : i32
      %dma_wait3A_447 = tpu.memref_slice %arg11[%dma_wait3A_446] : memref<10000xf32, #tpu.memory_space<vmem_shared>> -> memref<10000xf32, #tpu.memory_space<vmem_shared>>
      %dma_wait3A_448 = tpu.memref_slice %arg12[%dma_wait3A_439] : memref<16x!tpu.dma_semaphore, #tpu.memory_space<semaphore_mem>> -> memref<1x!tpu.dma_semaphore, #tpu.memory_space<semaphore_mem>>
      %dma_wait3A_449 = tpu.memref_squeeze %dma_wait3A_448 : memref<1x!tpu.dma_semaphore, #tpu.memory_space<semaphore_mem>> -> memref<!tpu.dma_semaphore, #tpu.memory_space<semaphore_mem>>
      tpu.wait_indirect_dma semaphore(%dma_wait3A_449 : memref<!tpu.dma_semaphore, #tpu.memory_space<semaphore_mem>>) src(%dma_wait3A_447 : memref<10000xf32, #tpu.memory_space<vmem_shared>>) dst(%dma_wait3A_442 : memref<128xf32, #tpu.memory_space<vmem>>)
      %dma_start3A_450 = arith.constant 0 : i32
      %dma_start3A_451 = tpu.memref_slice %arg8[%add3A_438, %dma_start3A_450] : memref<80x128xf32, #tpu.memory_space<vmem>> -> memref<1x128xf32, #tpu.memory_space<vmem>>
      %dma_start3A_452 = tpu.memref_squeeze %dma_start3A_451 : memref<1x128xf32, #tpu.memory_space<vmem>> -> memref<128xf32, #tpu.memory_space<vmem>>
      %dma_start3A_453 = arith.constant 0 : i32
      %dma_start3A_454 = tpu.memref_slice %arg7[%add3A_438, %dma_start3A_453] : memref<80x128xi32, #tpu.memory_space<vmem>> -> memref<1x128xi32, #tpu.memory_space<vmem>>
      %dma_start3A_455 = tpu.memref_squeeze %dma_start3A_454 : memref<1x128xi32, #tpu.memory_space<vmem>> -> memref<128xi32, #tpu.memory_space<vmem>>
      %dma_start3A_456 = arith.constant 0 : i32
      %dma_start3A_457 = tpu.memref_slice %arg10[%dma_start3A_456] : memref<10240xf32, #tpu.memory_space<vmem_shared>> -> memref<10240xf32, #tpu.memory_space<vmem_shared>>
      tpu.enqueue_indirect_dma source(%dma_start3A_452 : memref<128xf32, #tpu.memory_space<vmem>>) target(%dma_start3A_457 : memref<10240xf32, #tpu.memory_space<vmem_shared>>) offsets(%dma_start3A_455 : memref<128xi32, #tpu.memory_space<vmem>>) semaphore(%arg13 : memref<!tpu.dma_semaphore, #tpu.memory_space<semaphore_mem>>) {add = true}
      %add3A_458 = arith.constant 16 : i32
      %add3A_459 = arith.addi %add3A_438, %add3A_458 : i32
      %lt3A_460 = arith.constant 80 : i32
      %lt3A_461 = arith.cmpi slt, %add3A_459, %lt3A_460 : i32
      %convert_element_type3A_462 = arith.extui %lt3A_461 : i1 to i32
      %cond3A_463 = arith.constant 0 : i32
      %cond3A_464 = arith.cmpi ne, %convert_element_type3A_462, %cond3A_463 : i32
      scf.if %cond3A_464 {
        %dma_start3A_689 = arith.constant 7 : i32
        %dma_start3A_690 = arith.constant 0 : i32
        %dma_start3A_691 = tpu.memref_slice %arg8[%add3A_459, %dma_start3A_690] : memref<80x128xf32, #tpu.memory_space<vmem>> -> memref<1x128xf32, #tpu.memory_space<vmem>>
        %dma_start3A_692 = tpu.memref_squeeze %dma_start3A_691 : memref<1x128xf32, #tpu.memory_space<vmem>> -> memref<128xf32, #tpu.memory_space<vmem>>
        %dma_start3A_693 = arith.constant 0 : i32
        %dma_start3A_694 = tpu.memref_slice %arg6[%add3A_459, %dma_start3A_693] : memref<80x128xi32, #tpu.memory_space<vmem>> -> memref<1x128xi32, #tpu.memory_space<vmem>>
        %dma_start3A_695 = tpu.memref_squeeze %dma_start3A_694 : memref<1x128xi32, #tpu.memory_space<vmem>> -> memref<128xi32, #tpu.memory_space<vmem>>
        %dma_start3A_696 = arith.constant 0 : i32
        %dma_start3A_697 = tpu.memref_slice %arg11[%dma_start3A_696] : memref<10000xf32, #tpu.memory_space<vmem_shared>> -> memref<10000xf32, #tpu.memory_space<vmem_shared>>
        %dma_start3A_698 = tpu.memref_slice %arg12[%dma_start3A_689] : memref<16x!tpu.dma_semaphore, #tpu.memory_space<semaphore_mem>> -> memref<1x!tpu.dma_semaphore, #tpu.memory_space<semaphore_mem>>
        %dma_start3A_699 = tpu.memref_squeeze %dma_start3A_698 : memref<1x!tpu.dma_semaphore, #tpu.memory_space<semaphore_mem>> -> memref<!tpu.dma_semaphore, #tpu.memory_space<semaphore_mem>>
        tpu.enqueue_indirect_dma source(%dma_start3A_697 : memref<10000xf32, #tpu.memory_space<vmem_shared>>) target(%dma_start3A_692 : memref<128xf32, #tpu.memory_space<vmem>>) offsets(%dma_start3A_695 : memref<128xi32, #tpu.memory_space<vmem>>) semaphore(%dma_start3A_699 : memref<!tpu.dma_semaphore, #tpu.memory_space<semaphore_mem>>)
      } else {
      }
      %add3A_465 = arith.constant 8 : i32
      %add3A_466 = arith.addi %mul3A_242, %add3A_465 : i32
      %dma_wait3A_467 = arith.constant 8 : i32
      %dma_wait3A_468 = arith.constant 0 : i32
      %dma_wait3A_469 = tpu.memref_slice %arg8[%add3A_466, %dma_wait3A_468] : memref<80x128xf32, #tpu.memory_space<vmem>> -> memref<1x128xf32, #tpu.memory_space<vmem>>
      %dma_wait3A_470 = tpu.memref_squeeze %dma_wait3A_469 : memref<1x128xf32, #tpu.memory_space<vmem>> -> memref<128xf32, #tpu.memory_space<vmem>>
      %dma_wait3A_471 = arith.constant 0 : i32
      %dma_wait3A_472 = tpu.memref_slice %arg6[%add3A_466, %dma_wait3A_471] : memref<80x128xi32, #tpu.memory_space<vmem>> -> memref<1x128xi32, #tpu.memory_space<vmem>>
      %dma_wait3A_473 = tpu.memref_squeeze %dma_wait3A_472 : memref<1x128xi32, #tpu.memory_space<vmem>> -> memref<128xi32, #tpu.memory_space<vmem>>
      %dma_wait3A_474 = arith.constant 0 : i32
      %dma_wait3A_475 = tpu.memref_slice %arg11[%dma_wait3A_474] : memref<10000xf32, #tpu.memory_space<vmem_shared>> -> memref<10000xf32, #tpu.memory_space<vmem_shared>>
      %dma_wait3A_476 = tpu.memref_slice %arg12[%dma_wait3A_467] : memref<16x!tpu.dma_semaphore, #tpu.memory_space<semaphore_mem>> -> memref<1x!tpu.dma_semaphore, #tpu.memory_space<semaphore_mem>>
      %dma_wait3A_477 = tpu.memref_squeeze %dma_wait3A_476 : memref<1x!tpu.dma_semaphore, #tpu.memory_space<semaphore_mem>> -> memref<!tpu.dma_semaphore, #tpu.memory_space<semaphore_mem>>
      tpu.wait_indirect_dma semaphore(%dma_wait3A_477 : memref<!tpu.dma_semaphore, #tpu.memory_space<semaphore_mem>>) src(%dma_wait3A_475 : memref<10000xf32, #tpu.memory_space<vmem_shared>>) dst(%dma_wait3A_470 : memref<128xf32, #tpu.memory_space<vmem>>)
      %dma_start3A_478 = arith.constant 0 : i32
      %dma_start3A_479 = tpu.memref_slice %arg8[%add3A_466, %dma_start3A_478] : memref<80x128xf32, #tpu.memory_space<vmem>> -> memref<1x128xf32, #tpu.memory_space<vmem>>
      %dma_start3A_480 = tpu.memref_squeeze %dma_start3A_479 : memref<1x128xf32, #tpu.memory_space<vmem>> -> memref<128xf32, #tpu.memory_space<vmem>>
      %dma_start3A_481 = arith.constant 0 : i32
      %dma_start3A_482 = tpu.memref_slice %arg7[%add3A_466, %dma_start3A_481] : memref<80x128xi32, #tpu.memory_space<vmem>> -> memref<1x128xi32, #tpu.memory_space<vmem>>
      %dma_start3A_483 = tpu.memref_squeeze %dma_start3A_482 : memref<1x128xi32, #tpu.memory_space<vmem>> -> memref<128xi32, #tpu.memory_space<vmem>>
      %dma_start3A_484 = arith.constant 0 : i32
      %dma_start3A_485 = tpu.memref_slice %arg10[%dma_start3A_484] : memref<10240xf32, #tpu.memory_space<vmem_shared>> -> memref<10240xf32, #tpu.memory_space<vmem_shared>>
      tpu.enqueue_indirect_dma source(%dma_start3A_480 : memref<128xf32, #tpu.memory_space<vmem>>) target(%dma_start3A_485 : memref<10240xf32, #tpu.memory_space<vmem_shared>>) offsets(%dma_start3A_483 : memref<128xi32, #tpu.memory_space<vmem>>) semaphore(%arg13 : memref<!tpu.dma_semaphore, #tpu.memory_space<semaphore_mem>>) {add = true}
      %add3A_486 = arith.constant 16 : i32
      %add3A_487 = arith.addi %add3A_466, %add3A_486 : i32
      %lt3A_488 = arith.constant 80 : i32
      %lt3A_489 = arith.cmpi slt, %add3A_487, %lt3A_488 : i32
      %convert_element_type3A_490 = arith.extui %lt3A_489 : i1 to i32
      %cond3A_491 = arith.constant 0 : i32
      %cond3A_492 = arith.cmpi ne, %convert_element_type3A_490, %cond3A_491 : i32
      scf.if %cond3A_492 {
        %dma_start3A_689 = arith.constant 8 : i32
        %dma_start3A_690 = arith.constant 0 : i32
        %dma_start3A_691 = tpu.memref_slice %arg8[%add3A_487, %dma_start3A_690] : memref<80x128xf32, #tpu.memory_space<vmem>> -> memref<1x128xf32, #tpu.memory_space<vmem>>
        %dma_start3A_692 = tpu.memref_squeeze %dma_start3A_691 : memref<1x128xf32, #tpu.memory_space<vmem>> -> memref<128xf32, #tpu.memory_space<vmem>>
        %dma_start3A_693 = arith.constant 0 : i32
        %dma_start3A_694 = tpu.memref_slice %arg6[%add3A_487, %dma_start3A_693] : memref<80x128xi32, #tpu.memory_space<vmem>> -> memref<1x128xi32, #tpu.memory_space<vmem>>
        %dma_start3A_695 = tpu.memref_squeeze %dma_start3A_694 : memref<1x128xi32, #tpu.memory_space<vmem>> -> memref<128xi32, #tpu.memory_space<vmem>>
        %dma_start3A_696 = arith.constant 0 : i32
        %dma_start3A_697 = tpu.memref_slice %arg11[%dma_start3A_696] : memref<10000xf32, #tpu.memory_space<vmem_shared>> -> memref<10000xf32, #tpu.memory_space<vmem_shared>>
        %dma_start3A_698 = tpu.memref_slice %arg12[%dma_start3A_689] : memref<16x!tpu.dma_semaphore, #tpu.memory_space<semaphore_mem>> -> memref<1x!tpu.dma_semaphore, #tpu.memory_space<semaphore_mem>>
        %dma_start3A_699 = tpu.memref_squeeze %dma_start3A_698 : memref<1x!tpu.dma_semaphore, #tpu.memory_space<semaphore_mem>> -> memref<!tpu.dma_semaphore, #tpu.memory_space<semaphore_mem>>
        tpu.enqueue_indirect_dma source(%dma_start3A_697 : memref<10000xf32, #tpu.memory_space<vmem_shared>>) target(%dma_start3A_692 : memref<128xf32, #tpu.memory_space<vmem>>) offsets(%dma_start3A_695 : memref<128xi32, #tpu.memory_space<vmem>>) semaphore(%dma_start3A_699 : memref<!tpu.dma_semaphore, #tpu.memory_space<semaphore_mem>>)
      } else {
      }
      %add3A_493 = arith.constant 9 : i32
      %add3A_494 = arith.addi %mul3A_242, %add3A_493 : i32
      %dma_wait3A_495 = arith.constant 9 : i32
      %dma_wait3A_496 = arith.constant 0 : i32
      %dma_wait3A_497 = tpu.memref_slice %arg8[%add3A_494, %dma_wait3A_496] : memref<80x128xf32, #tpu.memory_space<vmem>> -> memref<1x128xf32, #tpu.memory_space<vmem>>
      %dma_wait3A_498 = tpu.memref_squeeze %dma_wait3A_497 : memref<1x128xf32, #tpu.memory_space<vmem>> -> memref<128xf32, #tpu.memory_space<vmem>>
      %dma_wait3A_499 = arith.constant 0 : i32
      %dma_wait3A_500 = tpu.memref_slice %arg6[%add3A_494, %dma_wait3A_499] : memref<80x128xi32, #tpu.memory_space<vmem>> -> memref<1x128xi32, #tpu.memory_space<vmem>>
      %dma_wait3A_501 = tpu.memref_squeeze %dma_wait3A_500 : memref<1x128xi32, #tpu.memory_space<vmem>> -> memref<128xi32, #tpu.memory_space<vmem>>
      %dma_wait3A_502 = arith.constant 0 : i32
      %dma_wait3A_503 = tpu.memref_slice %arg11[%dma_wait3A_502] : memref<10000xf32, #tpu.memory_space<vmem_shared>> -> memref<10000xf32, #tpu.memory_space<vmem_shared>>
      %dma_wait3A_504 = tpu.memref_slice %arg12[%dma_wait3A_495] : memref<16x!tpu.dma_semaphore, #tpu.memory_space<semaphore_mem>> -> memref<1x!tpu.dma_semaphore, #tpu.memory_space<semaphore_mem>>
      %dma_wait3A_505 = tpu.memref_squeeze %dma_wait3A_504 : memref<1x!tpu.dma_semaphore, #tpu.memory_space<semaphore_mem>> -> memref<!tpu.dma_semaphore, #tpu.memory_space<semaphore_mem>>
      tpu.wait_indirect_dma semaphore(%dma_wait3A_505 : memref<!tpu.dma_semaphore, #tpu.memory_space<semaphore_mem>>) src(%dma_wait3A_503 : memref<10000xf32, #tpu.memory_space<vmem_shared>>) dst(%dma_wait3A_498 : memref<128xf32, #tpu.memory_space<vmem>>)
      %dma_start3A_506 = arith.constant 0 : i32
      %dma_start3A_507 = tpu.memref_slice %arg8[%add3A_494, %dma_start3A_506] : memref<80x128xf32, #tpu.memory_space<vmem>> -> memref<1x128xf32, #tpu.memory_space<vmem>>
      %dma_start3A_508 = tpu.memref_squeeze %dma_start3A_507 : memref<1x128xf32, #tpu.memory_space<vmem>> -> memref<128xf32, #tpu.memory_space<vmem>>
      %dma_start3A_509 = arith.constant 0 : i32
      %dma_start3A_510 = tpu.memref_slice %arg7[%add3A_494, %dma_start3A_509] : memref<80x128xi32, #tpu.memory_space<vmem>> -> memref<1x128xi32, #tpu.memory_space<vmem>>
      %dma_start3A_511 = tpu.memref_squeeze %dma_start3A_510 : memref<1x128xi32, #tpu.memory_space<vmem>> -> memref<128xi32, #tpu.memory_space<vmem>>
      %dma_start3A_512 = arith.constant 0 : i32
      %dma_start3A_513 = tpu.memref_slice %arg10[%dma_start3A_512] : memref<10240xf32, #tpu.memory_space<vmem_shared>> -> memref<10240xf32, #tpu.memory_space<vmem_shared>>
      tpu.enqueue_indirect_dma source(%dma_start3A_508 : memref<128xf32, #tpu.memory_space<vmem>>) target(%dma_start3A_513 : memref<10240xf32, #tpu.memory_space<vmem_shared>>) offsets(%dma_start3A_511 : memref<128xi32, #tpu.memory_space<vmem>>) semaphore(%arg13 : memref<!tpu.dma_semaphore, #tpu.memory_space<semaphore_mem>>) {add = true}
      %add3A_514 = arith.constant 16 : i32
      %add3A_515 = arith.addi %add3A_494, %add3A_514 : i32
      %lt3A_516 = arith.constant 80 : i32
      %lt3A_517 = arith.cmpi slt, %add3A_515, %lt3A_516 : i32
      %convert_element_type3A_518 = arith.extui %lt3A_517 : i1 to i32
      %cond3A_519 = arith.constant 0 : i32
      %cond3A_520 = arith.cmpi ne, %convert_element_type3A_518, %cond3A_519 : i32
      scf.if %cond3A_520 {
        %dma_start3A_689 = arith.constant 9 : i32
        %dma_start3A_690 = arith.constant 0 : i32
        %dma_start3A_691 = tpu.memref_slice %arg8[%add3A_515, %dma_start3A_690] : memref<80x128xf32, #tpu.memory_space<vmem>> -> memref<1x128xf32, #tpu.memory_space<vmem>>
        %dma_start3A_692 = tpu.memref_squeeze %dma_start3A_691 : memref<1x128xf32, #tpu.memory_space<vmem>> -> memref<128xf32, #tpu.memory_space<vmem>>
        %dma_start3A_693 = arith.constant 0 : i32
        %dma_start3A_694 = tpu.memref_slice %arg6[%add3A_515, %dma_start3A_693] : memref<80x128xi32, #tpu.memory_space<vmem>> -> memref<1x128xi32, #tpu.memory_space<vmem>>
        %dma_start3A_695 = tpu.memref_squeeze %dma_start3A_694 : memref<1x128xi32, #tpu.memory_space<vmem>> -> memref<128xi32, #tpu.memory_space<vmem>>
        %dma_start3A_696 = arith.constant 0 : i32
        %dma_start3A_697 = tpu.memref_slice %arg11[%dma_start3A_696] : memref<10000xf32, #tpu.memory_space<vmem_shared>> -> memref<10000xf32, #tpu.memory_space<vmem_shared>>
        %dma_start3A_698 = tpu.memref_slice %arg12[%dma_start3A_689] : memref<16x!tpu.dma_semaphore, #tpu.memory_space<semaphore_mem>> -> memref<1x!tpu.dma_semaphore, #tpu.memory_space<semaphore_mem>>
        %dma_start3A_699 = tpu.memref_squeeze %dma_start3A_698 : memref<1x!tpu.dma_semaphore, #tpu.memory_space<semaphore_mem>> -> memref<!tpu.dma_semaphore, #tpu.memory_space<semaphore_mem>>
        tpu.enqueue_indirect_dma source(%dma_start3A_697 : memref<10000xf32, #tpu.memory_space<vmem_shared>>) target(%dma_start3A_692 : memref<128xf32, #tpu.memory_space<vmem>>) offsets(%dma_start3A_695 : memref<128xi32, #tpu.memory_space<vmem>>) semaphore(%dma_start3A_699 : memref<!tpu.dma_semaphore, #tpu.memory_space<semaphore_mem>>)
      } else {
      }
      %add3A_521 = arith.constant 10 : i32
      %add3A_522 = arith.addi %mul3A_242, %add3A_521 : i32
      %dma_wait3A_523 = arith.constant 10 : i32
      %dma_wait3A_524 = arith.constant 0 : i32
      %dma_wait3A_525 = tpu.memref_slice %arg8[%add3A_522, %dma_wait3A_524] : memref<80x128xf32, #tpu.memory_space<vmem>> -> memref<1x128xf32, #tpu.memory_space<vmem>>
      %dma_wait3A_526 = tpu.memref_squeeze %dma_wait3A_525 : memref<1x128xf32, #tpu.memory_space<vmem>> -> memref<128xf32, #tpu.memory_space<vmem>>
      %dma_wait3A_527 = arith.constant 0 : i32
      %dma_wait3A_528 = tpu.memref_slice %arg6[%add3A_522, %dma_wait3A_527] : memref<80x128xi32, #tpu.memory_space<vmem>> -> memref<1x128xi32, #tpu.memory_space<vmem>>
      %dma_wait3A_529 = tpu.memref_squeeze %dma_wait3A_528 : memref<1x128xi32, #tpu.memory_space<vmem>> -> memref<128xi32, #tpu.memory_space<vmem>>
      %dma_wait3A_530 = arith.constant 0 : i32
      %dma_wait3A_531 = tpu.memref_slice %arg11[%dma_wait3A_530] : memref<10000xf32, #tpu.memory_space<vmem_shared>> -> memref<10000xf32, #tpu.memory_space<vmem_shared>>
      %dma_wait3A_532 = tpu.memref_slice %arg12[%dma_wait3A_523] : memref<16x!tpu.dma_semaphore, #tpu.memory_space<semaphore_mem>> -> memref<1x!tpu.dma_semaphore, #tpu.memory_space<semaphore_mem>>
      %dma_wait3A_533 = tpu.memref_squeeze %dma_wait3A_532 : memref<1x!tpu.dma_semaphore, #tpu.memory_space<semaphore_mem>> -> memref<!tpu.dma_semaphore, #tpu.memory_space<semaphore_mem>>
      tpu.wait_indirect_dma semaphore(%dma_wait3A_533 : memref<!tpu.dma_semaphore, #tpu.memory_space<semaphore_mem>>) src(%dma_wait3A_531 : memref<10000xf32, #tpu.memory_space<vmem_shared>>) dst(%dma_wait3A_526 : memref<128xf32, #tpu.memory_space<vmem>>)
      %dma_start3A_534 = arith.constant 0 : i32
      %dma_start3A_535 = tpu.memref_slice %arg8[%add3A_522, %dma_start3A_534] : memref<80x128xf32, #tpu.memory_space<vmem>> -> memref<1x128xf32, #tpu.memory_space<vmem>>
      %dma_start3A_536 = tpu.memref_squeeze %dma_start3A_535 : memref<1x128xf32, #tpu.memory_space<vmem>> -> memref<128xf32, #tpu.memory_space<vmem>>
      %dma_start3A_537 = arith.constant 0 : i32
      %dma_start3A_538 = tpu.memref_slice %arg7[%add3A_522, %dma_start3A_537] : memref<80x128xi32, #tpu.memory_space<vmem>> -> memref<1x128xi32, #tpu.memory_space<vmem>>
      %dma_start3A_539 = tpu.memref_squeeze %dma_start3A_538 : memref<1x128xi32, #tpu.memory_space<vmem>> -> memref<128xi32, #tpu.memory_space<vmem>>
      %dma_start3A_540 = arith.constant 0 : i32
      %dma_start3A_541 = tpu.memref_slice %arg10[%dma_start3A_540] : memref<10240xf32, #tpu.memory_space<vmem_shared>> -> memref<10240xf32, #tpu.memory_space<vmem_shared>>
      tpu.enqueue_indirect_dma source(%dma_start3A_536 : memref<128xf32, #tpu.memory_space<vmem>>) target(%dma_start3A_541 : memref<10240xf32, #tpu.memory_space<vmem_shared>>) offsets(%dma_start3A_539 : memref<128xi32, #tpu.memory_space<vmem>>) semaphore(%arg13 : memref<!tpu.dma_semaphore, #tpu.memory_space<semaphore_mem>>) {add = true}
      %add3A_542 = arith.constant 16 : i32
      %add3A_543 = arith.addi %add3A_522, %add3A_542 : i32
      %lt3A_544 = arith.constant 80 : i32
      %lt3A_545 = arith.cmpi slt, %add3A_543, %lt3A_544 : i32
      %convert_element_type3A_546 = arith.extui %lt3A_545 : i1 to i32
      %cond3A_547 = arith.constant 0 : i32
      %cond3A_548 = arith.cmpi ne, %convert_element_type3A_546, %cond3A_547 : i32
      scf.if %cond3A_548 {
        %dma_start3A_689 = arith.constant 10 : i32
        %dma_start3A_690 = arith.constant 0 : i32
        %dma_start3A_691 = tpu.memref_slice %arg8[%add3A_543, %dma_start3A_690] : memref<80x128xf32, #tpu.memory_space<vmem>> -> memref<1x128xf32, #tpu.memory_space<vmem>>
        %dma_start3A_692 = tpu.memref_squeeze %dma_start3A_691 : memref<1x128xf32, #tpu.memory_space<vmem>> -> memref<128xf32, #tpu.memory_space<vmem>>
        %dma_start3A_693 = arith.constant 0 : i32
        %dma_start3A_694 = tpu.memref_slice %arg6[%add3A_543, %dma_start3A_693] : memref<80x128xi32, #tpu.memory_space<vmem>> -> memref<1x128xi32, #tpu.memory_space<vmem>>
        %dma_start3A_695 = tpu.memref_squeeze %dma_start3A_694 : memref<1x128xi32, #tpu.memory_space<vmem>> -> memref<128xi32, #tpu.memory_space<vmem>>
        %dma_start3A_696 = arith.constant 0 : i32
        %dma_start3A_697 = tpu.memref_slice %arg11[%dma_start3A_696] : memref<10000xf32, #tpu.memory_space<vmem_shared>> -> memref<10000xf32, #tpu.memory_space<vmem_shared>>
        %dma_start3A_698 = tpu.memref_slice %arg12[%dma_start3A_689] : memref<16x!tpu.dma_semaphore, #tpu.memory_space<semaphore_mem>> -> memref<1x!tpu.dma_semaphore, #tpu.memory_space<semaphore_mem>>
        %dma_start3A_699 = tpu.memref_squeeze %dma_start3A_698 : memref<1x!tpu.dma_semaphore, #tpu.memory_space<semaphore_mem>> -> memref<!tpu.dma_semaphore, #tpu.memory_space<semaphore_mem>>
        tpu.enqueue_indirect_dma source(%dma_start3A_697 : memref<10000xf32, #tpu.memory_space<vmem_shared>>) target(%dma_start3A_692 : memref<128xf32, #tpu.memory_space<vmem>>) offsets(%dma_start3A_695 : memref<128xi32, #tpu.memory_space<vmem>>) semaphore(%dma_start3A_699 : memref<!tpu.dma_semaphore, #tpu.memory_space<semaphore_mem>>)
      } else {
      }
      %add3A_549 = arith.constant 11 : i32
      %add3A_550 = arith.addi %mul3A_242, %add3A_549 : i32
      %dma_wait3A_551 = arith.constant 11 : i32
      %dma_wait3A_552 = arith.constant 0 : i32
      %dma_wait3A_553 = tpu.memref_slice %arg8[%add3A_550, %dma_wait3A_552] : memref<80x128xf32, #tpu.memory_space<vmem>> -> memref<1x128xf32, #tpu.memory_space<vmem>>
      %dma_wait3A_554 = tpu.memref_squeeze %dma_wait3A_553 : memref<1x128xf32, #tpu.memory_space<vmem>> -> memref<128xf32, #tpu.memory_space<vmem>>
      %dma_wait3A_555 = arith.constant 0 : i32
      %dma_wait3A_556 = tpu.memref_slice %arg6[%add3A_550, %dma_wait3A_555] : memref<80x128xi32, #tpu.memory_space<vmem>> -> memref<1x128xi32, #tpu.memory_space<vmem>>
      %dma_wait3A_557 = tpu.memref_squeeze %dma_wait3A_556 : memref<1x128xi32, #tpu.memory_space<vmem>> -> memref<128xi32, #tpu.memory_space<vmem>>
      %dma_wait3A_558 = arith.constant 0 : i32
      %dma_wait3A_559 = tpu.memref_slice %arg11[%dma_wait3A_558] : memref<10000xf32, #tpu.memory_space<vmem_shared>> -> memref<10000xf32, #tpu.memory_space<vmem_shared>>
      %dma_wait3A_560 = tpu.memref_slice %arg12[%dma_wait3A_551] : memref<16x!tpu.dma_semaphore, #tpu.memory_space<semaphore_mem>> -> memref<1x!tpu.dma_semaphore, #tpu.memory_space<semaphore_mem>>
      %dma_wait3A_561 = tpu.memref_squeeze %dma_wait3A_560 : memref<1x!tpu.dma_semaphore, #tpu.memory_space<semaphore_mem>> -> memref<!tpu.dma_semaphore, #tpu.memory_space<semaphore_mem>>
      tpu.wait_indirect_dma semaphore(%dma_wait3A_561 : memref<!tpu.dma_semaphore, #tpu.memory_space<semaphore_mem>>) src(%dma_wait3A_559 : memref<10000xf32, #tpu.memory_space<vmem_shared>>) dst(%dma_wait3A_554 : memref<128xf32, #tpu.memory_space<vmem>>)
      %dma_start3A_562 = arith.constant 0 : i32
      %dma_start3A_563 = tpu.memref_slice %arg8[%add3A_550, %dma_start3A_562] : memref<80x128xf32, #tpu.memory_space<vmem>> -> memref<1x128xf32, #tpu.memory_space<vmem>>
      %dma_start3A_564 = tpu.memref_squeeze %dma_start3A_563 : memref<1x128xf32, #tpu.memory_space<vmem>> -> memref<128xf32, #tpu.memory_space<vmem>>
      %dma_start3A_565 = arith.constant 0 : i32
      %dma_start3A_566 = tpu.memref_slice %arg7[%add3A_550, %dma_start3A_565] : memref<80x128xi32, #tpu.memory_space<vmem>> -> memref<1x128xi32, #tpu.memory_space<vmem>>
      %dma_start3A_567 = tpu.memref_squeeze %dma_start3A_566 : memref<1x128xi32, #tpu.memory_space<vmem>> -> memref<128xi32, #tpu.memory_space<vmem>>
      %dma_start3A_568 = arith.constant 0 : i32
      %dma_start3A_569 = tpu.memref_slice %arg10[%dma_start3A_568] : memref<10240xf32, #tpu.memory_space<vmem_shared>> -> memref<10240xf32, #tpu.memory_space<vmem_shared>>
      tpu.enqueue_indirect_dma source(%dma_start3A_564 : memref<128xf32, #tpu.memory_space<vmem>>) target(%dma_start3A_569 : memref<10240xf32, #tpu.memory_space<vmem_shared>>) offsets(%dma_start3A_567 : memref<128xi32, #tpu.memory_space<vmem>>) semaphore(%arg13 : memref<!tpu.dma_semaphore, #tpu.memory_space<semaphore_mem>>) {add = true}
      %add3A_570 = arith.constant 16 : i32
      %add3A_571 = arith.addi %add3A_550, %add3A_570 : i32
      %lt3A_572 = arith.constant 80 : i32
      %lt3A_573 = arith.cmpi slt, %add3A_571, %lt3A_572 : i32
      %convert_element_type3A_574 = arith.extui %lt3A_573 : i1 to i32
      %cond3A_575 = arith.constant 0 : i32
      %cond3A_576 = arith.cmpi ne, %convert_element_type3A_574, %cond3A_575 : i32
      scf.if %cond3A_576 {
        %dma_start3A_689 = arith.constant 11 : i32
        %dma_start3A_690 = arith.constant 0 : i32
        %dma_start3A_691 = tpu.memref_slice %arg8[%add3A_571, %dma_start3A_690] : memref<80x128xf32, #tpu.memory_space<vmem>> -> memref<1x128xf32, #tpu.memory_space<vmem>>
        %dma_start3A_692 = tpu.memref_squeeze %dma_start3A_691 : memref<1x128xf32, #tpu.memory_space<vmem>> -> memref<128xf32, #tpu.memory_space<vmem>>
        %dma_start3A_693 = arith.constant 0 : i32
        %dma_start3A_694 = tpu.memref_slice %arg6[%add3A_571, %dma_start3A_693] : memref<80x128xi32, #tpu.memory_space<vmem>> -> memref<1x128xi32, #tpu.memory_space<vmem>>
        %dma_start3A_695 = tpu.memref_squeeze %dma_start3A_694 : memref<1x128xi32, #tpu.memory_space<vmem>> -> memref<128xi32, #tpu.memory_space<vmem>>
        %dma_start3A_696 = arith.constant 0 : i32
        %dma_start3A_697 = tpu.memref_slice %arg11[%dma_start3A_696] : memref<10000xf32, #tpu.memory_space<vmem_shared>> -> memref<10000xf32, #tpu.memory_space<vmem_shared>>
        %dma_start3A_698 = tpu.memref_slice %arg12[%dma_start3A_689] : memref<16x!tpu.dma_semaphore, #tpu.memory_space<semaphore_mem>> -> memref<1x!tpu.dma_semaphore, #tpu.memory_space<semaphore_mem>>
        %dma_start3A_699 = tpu.memref_squeeze %dma_start3A_698 : memref<1x!tpu.dma_semaphore, #tpu.memory_space<semaphore_mem>> -> memref<!tpu.dma_semaphore, #tpu.memory_space<semaphore_mem>>
        tpu.enqueue_indirect_dma source(%dma_start3A_697 : memref<10000xf32, #tpu.memory_space<vmem_shared>>) target(%dma_start3A_692 : memref<128xf32, #tpu.memory_space<vmem>>) offsets(%dma_start3A_695 : memref<128xi32, #tpu.memory_space<vmem>>) semaphore(%dma_start3A_699 : memref<!tpu.dma_semaphore, #tpu.memory_space<semaphore_mem>>)
      } else {
      }
      %add3A_577 = arith.constant 12 : i32
      %add3A_578 = arith.addi %mul3A_242, %add3A_577 : i32
      %dma_wait3A_579 = arith.constant 12 : i32
      %dma_wait3A_580 = arith.constant 0 : i32
      %dma_wait3A_581 = tpu.memref_slice %arg8[%add3A_578, %dma_wait3A_580] : memref<80x128xf32, #tpu.memory_space<vmem>> -> memref<1x128xf32, #tpu.memory_space<vmem>>
      %dma_wait3A_582 = tpu.memref_squeeze %dma_wait3A_581 : memref<1x128xf32, #tpu.memory_space<vmem>> -> memref<128xf32, #tpu.memory_space<vmem>>
      %dma_wait3A_583 = arith.constant 0 : i32
      %dma_wait3A_584 = tpu.memref_slice %arg6[%add3A_578, %dma_wait3A_583] : memref<80x128xi32, #tpu.memory_space<vmem>> -> memref<1x128xi32, #tpu.memory_space<vmem>>
      %dma_wait3A_585 = tpu.memref_squeeze %dma_wait3A_584 : memref<1x128xi32, #tpu.memory_space<vmem>> -> memref<128xi32, #tpu.memory_space<vmem>>
      %dma_wait3A_586 = arith.constant 0 : i32
      %dma_wait3A_587 = tpu.memref_slice %arg11[%dma_wait3A_586] : memref<10000xf32, #tpu.memory_space<vmem_shared>> -> memref<10000xf32, #tpu.memory_space<vmem_shared>>
      %dma_wait3A_588 = tpu.memref_slice %arg12[%dma_wait3A_579] : memref<16x!tpu.dma_semaphore, #tpu.memory_space<semaphore_mem>> -> memref<1x!tpu.dma_semaphore, #tpu.memory_space<semaphore_mem>>
      %dma_wait3A_589 = tpu.memref_squeeze %dma_wait3A_588 : memref<1x!tpu.dma_semaphore, #tpu.memory_space<semaphore_mem>> -> memref<!tpu.dma_semaphore, #tpu.memory_space<semaphore_mem>>
      tpu.wait_indirect_dma semaphore(%dma_wait3A_589 : memref<!tpu.dma_semaphore, #tpu.memory_space<semaphore_mem>>) src(%dma_wait3A_587 : memref<10000xf32, #tpu.memory_space<vmem_shared>>) dst(%dma_wait3A_582 : memref<128xf32, #tpu.memory_space<vmem>>)
      %dma_start3A_590 = arith.constant 0 : i32
      %dma_start3A_591 = tpu.memref_slice %arg8[%add3A_578, %dma_start3A_590] : memref<80x128xf32, #tpu.memory_space<vmem>> -> memref<1x128xf32, #tpu.memory_space<vmem>>
      %dma_start3A_592 = tpu.memref_squeeze %dma_start3A_591 : memref<1x128xf32, #tpu.memory_space<vmem>> -> memref<128xf32, #tpu.memory_space<vmem>>
      %dma_start3A_593 = arith.constant 0 : i32
      %dma_start3A_594 = tpu.memref_slice %arg7[%add3A_578, %dma_start3A_593] : memref<80x128xi32, #tpu.memory_space<vmem>> -> memref<1x128xi32, #tpu.memory_space<vmem>>
      %dma_start3A_595 = tpu.memref_squeeze %dma_start3A_594 : memref<1x128xi32, #tpu.memory_space<vmem>> -> memref<128xi32, #tpu.memory_space<vmem>>
      %dma_start3A_596 = arith.constant 0 : i32
      %dma_start3A_597 = tpu.memref_slice %arg10[%dma_start3A_596] : memref<10240xf32, #tpu.memory_space<vmem_shared>> -> memref<10240xf32, #tpu.memory_space<vmem_shared>>
      tpu.enqueue_indirect_dma source(%dma_start3A_592 : memref<128xf32, #tpu.memory_space<vmem>>) target(%dma_start3A_597 : memref<10240xf32, #tpu.memory_space<vmem_shared>>) offsets(%dma_start3A_595 : memref<128xi32, #tpu.memory_space<vmem>>) semaphore(%arg13 : memref<!tpu.dma_semaphore, #tpu.memory_space<semaphore_mem>>) {add = true}
      %add3A_598 = arith.constant 16 : i32
      %add3A_599 = arith.addi %add3A_578, %add3A_598 : i32
      %lt3A_600 = arith.constant 80 : i32
      %lt3A_601 = arith.cmpi slt, %add3A_599, %lt3A_600 : i32
      %convert_element_type3A_602 = arith.extui %lt3A_601 : i1 to i32
      %cond3A_603 = arith.constant 0 : i32
      %cond3A_604 = arith.cmpi ne, %convert_element_type3A_602, %cond3A_603 : i32
      scf.if %cond3A_604 {
        %dma_start3A_689 = arith.constant 12 : i32
        %dma_start3A_690 = arith.constant 0 : i32
        %dma_start3A_691 = tpu.memref_slice %arg8[%add3A_599, %dma_start3A_690] : memref<80x128xf32, #tpu.memory_space<vmem>> -> memref<1x128xf32, #tpu.memory_space<vmem>>
        %dma_start3A_692 = tpu.memref_squeeze %dma_start3A_691 : memref<1x128xf32, #tpu.memory_space<vmem>> -> memref<128xf32, #tpu.memory_space<vmem>>
        %dma_start3A_693 = arith.constant 0 : i32
        %dma_start3A_694 = tpu.memref_slice %arg6[%add3A_599, %dma_start3A_693] : memref<80x128xi32, #tpu.memory_space<vmem>> -> memref<1x128xi32, #tpu.memory_space<vmem>>
        %dma_start3A_695 = tpu.memref_squeeze %dma_start3A_694 : memref<1x128xi32, #tpu.memory_space<vmem>> -> memref<128xi32, #tpu.memory_space<vmem>>
        %dma_start3A_696 = arith.constant 0 : i32
        %dma_start3A_697 = tpu.memref_slice %arg11[%dma_start3A_696] : memref<10000xf32, #tpu.memory_space<vmem_shared>> -> memref<10000xf32, #tpu.memory_space<vmem_shared>>
        %dma_start3A_698 = tpu.memref_slice %arg12[%dma_start3A_689] : memref<16x!tpu.dma_semaphore, #tpu.memory_space<semaphore_mem>> -> memref<1x!tpu.dma_semaphore, #tpu.memory_space<semaphore_mem>>
        %dma_start3A_699 = tpu.memref_squeeze %dma_start3A_698 : memref<1x!tpu.dma_semaphore, #tpu.memory_space<semaphore_mem>> -> memref<!tpu.dma_semaphore, #tpu.memory_space<semaphore_mem>>
        tpu.enqueue_indirect_dma source(%dma_start3A_697 : memref<10000xf32, #tpu.memory_space<vmem_shared>>) target(%dma_start3A_692 : memref<128xf32, #tpu.memory_space<vmem>>) offsets(%dma_start3A_695 : memref<128xi32, #tpu.memory_space<vmem>>) semaphore(%dma_start3A_699 : memref<!tpu.dma_semaphore, #tpu.memory_space<semaphore_mem>>)
      } else {
      }
      %add3A_605 = arith.constant 13 : i32
      %add3A_606 = arith.addi %mul3A_242, %add3A_605 : i32
      %dma_wait3A_607 = arith.constant 13 : i32
      %dma_wait3A_608 = arith.constant 0 : i32
      %dma_wait3A_609 = tpu.memref_slice %arg8[%add3A_606, %dma_wait3A_608] : memref<80x128xf32, #tpu.memory_space<vmem>> -> memref<1x128xf32, #tpu.memory_space<vmem>>
      %dma_wait3A_610 = tpu.memref_squeeze %dma_wait3A_609 : memref<1x128xf32, #tpu.memory_space<vmem>> -> memref<128xf32, #tpu.memory_space<vmem>>
      %dma_wait3A_611 = arith.constant 0 : i32
      %dma_wait3A_612 = tpu.memref_slice %arg6[%add3A_606, %dma_wait3A_611] : memref<80x128xi32, #tpu.memory_space<vmem>> -> memref<1x128xi32, #tpu.memory_space<vmem>>
      %dma_wait3A_613 = tpu.memref_squeeze %dma_wait3A_612 : memref<1x128xi32, #tpu.memory_space<vmem>> -> memref<128xi32, #tpu.memory_space<vmem>>
      %dma_wait3A_614 = arith.constant 0 : i32
      %dma_wait3A_615 = tpu.memref_slice %arg11[%dma_wait3A_614] : memref<10000xf32, #tpu.memory_space<vmem_shared>> -> memref<10000xf32, #tpu.memory_space<vmem_shared>>
      %dma_wait3A_616 = tpu.memref_slice %arg12[%dma_wait3A_607] : memref<16x!tpu.dma_semaphore, #tpu.memory_space<semaphore_mem>> -> memref<1x!tpu.dma_semaphore, #tpu.memory_space<semaphore_mem>>
      %dma_wait3A_617 = tpu.memref_squeeze %dma_wait3A_616 : memref<1x!tpu.dma_semaphore, #tpu.memory_space<semaphore_mem>> -> memref<!tpu.dma_semaphore, #tpu.memory_space<semaphore_mem>>
      tpu.wait_indirect_dma semaphore(%dma_wait3A_617 : memref<!tpu.dma_semaphore, #tpu.memory_space<semaphore_mem>>) src(%dma_wait3A_615 : memref<10000xf32, #tpu.memory_space<vmem_shared>>) dst(%dma_wait3A_610 : memref<128xf32, #tpu.memory_space<vmem>>)
      %dma_start3A_618 = arith.constant 0 : i32
      %dma_start3A_619 = tpu.memref_slice %arg8[%add3A_606, %dma_start3A_618] : memref<80x128xf32, #tpu.memory_space<vmem>> -> memref<1x128xf32, #tpu.memory_space<vmem>>
      %dma_start3A_620 = tpu.memref_squeeze %dma_start3A_619 : memref<1x128xf32, #tpu.memory_space<vmem>> -> memref<128xf32, #tpu.memory_space<vmem>>
      %dma_start3A_621 = arith.constant 0 : i32
      %dma_start3A_622 = tpu.memref_slice %arg7[%add3A_606, %dma_start3A_621] : memref<80x128xi32, #tpu.memory_space<vmem>> -> memref<1x128xi32, #tpu.memory_space<vmem>>
      %dma_start3A_623 = tpu.memref_squeeze %dma_start3A_622 : memref<1x128xi32, #tpu.memory_space<vmem>> -> memref<128xi32, #tpu.memory_space<vmem>>
      %dma_start3A_624 = arith.constant 0 : i32
      %dma_start3A_625 = tpu.memref_slice %arg10[%dma_start3A_624] : memref<10240xf32, #tpu.memory_space<vmem_shared>> -> memref<10240xf32, #tpu.memory_space<vmem_shared>>
      tpu.enqueue_indirect_dma source(%dma_start3A_620 : memref<128xf32, #tpu.memory_space<vmem>>) target(%dma_start3A_625 : memref<10240xf32, #tpu.memory_space<vmem_shared>>) offsets(%dma_start3A_623 : memref<128xi32, #tpu.memory_space<vmem>>) semaphore(%arg13 : memref<!tpu.dma_semaphore, #tpu.memory_space<semaphore_mem>>) {add = true}
      %add3A_626 = arith.constant 16 : i32
      %add3A_627 = arith.addi %add3A_606, %add3A_626 : i32
      %lt3A_628 = arith.constant 80 : i32
      %lt3A_629 = arith.cmpi slt, %add3A_627, %lt3A_628 : i32
      %convert_element_type3A_630 = arith.extui %lt3A_629 : i1 to i32
      %cond3A_631 = arith.constant 0 : i32
      %cond3A_632 = arith.cmpi ne, %convert_element_type3A_630, %cond3A_631 : i32
      scf.if %cond3A_632 {
        %dma_start3A_689 = arith.constant 13 : i32
        %dma_start3A_690 = arith.constant 0 : i32
        %dma_start3A_691 = tpu.memref_slice %arg8[%add3A_627, %dma_start3A_690] : memref<80x128xf32, #tpu.memory_space<vmem>> -> memref<1x128xf32, #tpu.memory_space<vmem>>
        %dma_start3A_692 = tpu.memref_squeeze %dma_start3A_691 : memref<1x128xf32, #tpu.memory_space<vmem>> -> memref<128xf32, #tpu.memory_space<vmem>>
        %dma_start3A_693 = arith.constant 0 : i32
        %dma_start3A_694 = tpu.memref_slice %arg6[%add3A_627, %dma_start3A_693] : memref<80x128xi32, #tpu.memory_space<vmem>> -> memref<1x128xi32, #tpu.memory_space<vmem>>
        %dma_start3A_695 = tpu.memref_squeeze %dma_start3A_694 : memref<1x128xi32, #tpu.memory_space<vmem>> -> memref<128xi32, #tpu.memory_space<vmem>>
        %dma_start3A_696 = arith.constant 0 : i32
        %dma_start3A_697 = tpu.memref_slice %arg11[%dma_start3A_696] : memref<10000xf32, #tpu.memory_space<vmem_shared>> -> memref<10000xf32, #tpu.memory_space<vmem_shared>>
        %dma_start3A_698 = tpu.memref_slice %arg12[%dma_start3A_689] : memref<16x!tpu.dma_semaphore, #tpu.memory_space<semaphore_mem>> -> memref<1x!tpu.dma_semaphore, #tpu.memory_space<semaphore_mem>>
        %dma_start3A_699 = tpu.memref_squeeze %dma_start3A_698 : memref<1x!tpu.dma_semaphore, #tpu.memory_space<semaphore_mem>> -> memref<!tpu.dma_semaphore, #tpu.memory_space<semaphore_mem>>
        tpu.enqueue_indirect_dma source(%dma_start3A_697 : memref<10000xf32, #tpu.memory_space<vmem_shared>>) target(%dma_start3A_692 : memref<128xf32, #tpu.memory_space<vmem>>) offsets(%dma_start3A_695 : memref<128xi32, #tpu.memory_space<vmem>>) semaphore(%dma_start3A_699 : memref<!tpu.dma_semaphore, #tpu.memory_space<semaphore_mem>>)
      } else {
      }
      %add3A_633 = arith.constant 14 : i32
      %add3A_634 = arith.addi %mul3A_242, %add3A_633 : i32
      %dma_wait3A_635 = arith.constant 14 : i32
      %dma_wait3A_636 = arith.constant 0 : i32
      %dma_wait3A_637 = tpu.memref_slice %arg8[%add3A_634, %dma_wait3A_636] : memref<80x128xf32, #tpu.memory_space<vmem>> -> memref<1x128xf32, #tpu.memory_space<vmem>>
      %dma_wait3A_638 = tpu.memref_squeeze %dma_wait3A_637 : memref<1x128xf32, #tpu.memory_space<vmem>> -> memref<128xf32, #tpu.memory_space<vmem>>
      %dma_wait3A_639 = arith.constant 0 : i32
      %dma_wait3A_640 = tpu.memref_slice %arg6[%add3A_634, %dma_wait3A_639] : memref<80x128xi32, #tpu.memory_space<vmem>> -> memref<1x128xi32, #tpu.memory_space<vmem>>
      %dma_wait3A_641 = tpu.memref_squeeze %dma_wait3A_640 : memref<1x128xi32, #tpu.memory_space<vmem>> -> memref<128xi32, #tpu.memory_space<vmem>>
      %dma_wait3A_642 = arith.constant 0 : i32
      %dma_wait3A_643 = tpu.memref_slice %arg11[%dma_wait3A_642] : memref<10000xf32, #tpu.memory_space<vmem_shared>> -> memref<10000xf32, #tpu.memory_space<vmem_shared>>
      %dma_wait3A_644 = tpu.memref_slice %arg12[%dma_wait3A_635] : memref<16x!tpu.dma_semaphore, #tpu.memory_space<semaphore_mem>> -> memref<1x!tpu.dma_semaphore, #tpu.memory_space<semaphore_mem>>
      %dma_wait3A_645 = tpu.memref_squeeze %dma_wait3A_644 : memref<1x!tpu.dma_semaphore, #tpu.memory_space<semaphore_mem>> -> memref<!tpu.dma_semaphore, #tpu.memory_space<semaphore_mem>>
      tpu.wait_indirect_dma semaphore(%dma_wait3A_645 : memref<!tpu.dma_semaphore, #tpu.memory_space<semaphore_mem>>) src(%dma_wait3A_643 : memref<10000xf32, #tpu.memory_space<vmem_shared>>) dst(%dma_wait3A_638 : memref<128xf32, #tpu.memory_space<vmem>>)
      %dma_start3A_646 = arith.constant 0 : i32
      %dma_start3A_647 = tpu.memref_slice %arg8[%add3A_634, %dma_start3A_646] : memref<80x128xf32, #tpu.memory_space<vmem>> -> memref<1x128xf32, #tpu.memory_space<vmem>>
      %dma_start3A_648 = tpu.memref_squeeze %dma_start3A_647 : memref<1x128xf32, #tpu.memory_space<vmem>> -> memref<128xf32, #tpu.memory_space<vmem>>
      %dma_start3A_649 = arith.constant 0 : i32
      %dma_start3A_650 = tpu.memref_slice %arg7[%add3A_634, %dma_start3A_649] : memref<80x128xi32, #tpu.memory_space<vmem>> -> memref<1x128xi32, #tpu.memory_space<vmem>>
      %dma_start3A_651 = tpu.memref_squeeze %dma_start3A_650 : memref<1x128xi32, #tpu.memory_space<vmem>> -> memref<128xi32, #tpu.memory_space<vmem>>
      %dma_start3A_652 = arith.constant 0 : i32
      %dma_start3A_653 = tpu.memref_slice %arg10[%dma_start3A_652] : memref<10240xf32, #tpu.memory_space<vmem_shared>> -> memref<10240xf32, #tpu.memory_space<vmem_shared>>
      tpu.enqueue_indirect_dma source(%dma_start3A_648 : memref<128xf32, #tpu.memory_space<vmem>>) target(%dma_start3A_653 : memref<10240xf32, #tpu.memory_space<vmem_shared>>) offsets(%dma_start3A_651 : memref<128xi32, #tpu.memory_space<vmem>>) semaphore(%arg13 : memref<!tpu.dma_semaphore, #tpu.memory_space<semaphore_mem>>) {add = true}
      %add3A_654 = arith.constant 16 : i32
      %add3A_655 = arith.addi %add3A_634, %add3A_654 : i32
      %lt3A_656 = arith.constant 80 : i32
      %lt3A_657 = arith.cmpi slt, %add3A_655, %lt3A_656 : i32
      %convert_element_type3A_658 = arith.extui %lt3A_657 : i1 to i32
      %cond3A_659 = arith.constant 0 : i32
      %cond3A_660 = arith.cmpi ne, %convert_element_type3A_658, %cond3A_659 : i32
      scf.if %cond3A_660 {
        %dma_start3A_689 = arith.constant 14 : i32
        %dma_start3A_690 = arith.constant 0 : i32
        %dma_start3A_691 = tpu.memref_slice %arg8[%add3A_655, %dma_start3A_690] : memref<80x128xf32, #tpu.memory_space<vmem>> -> memref<1x128xf32, #tpu.memory_space<vmem>>
        %dma_start3A_692 = tpu.memref_squeeze %dma_start3A_691 : memref<1x128xf32, #tpu.memory_space<vmem>> -> memref<128xf32, #tpu.memory_space<vmem>>
        %dma_start3A_693 = arith.constant 0 : i32
        %dma_start3A_694 = tpu.memref_slice %arg6[%add3A_655, %dma_start3A_693] : memref<80x128xi32, #tpu.memory_space<vmem>> -> memref<1x128xi32, #tpu.memory_space<vmem>>
        %dma_start3A_695 = tpu.memref_squeeze %dma_start3A_694 : memref<1x128xi32, #tpu.memory_space<vmem>> -> memref<128xi32, #tpu.memory_space<vmem>>
        %dma_start3A_696 = arith.constant 0 : i32
        %dma_start3A_697 = tpu.memref_slice %arg11[%dma_start3A_696] : memref<10000xf32, #tpu.memory_space<vmem_shared>> -> memref<10000xf32, #tpu.memory_space<vmem_shared>>
        %dma_start3A_698 = tpu.memref_slice %arg12[%dma_start3A_689] : memref<16x!tpu.dma_semaphore, #tpu.memory_space<semaphore_mem>> -> memref<1x!tpu.dma_semaphore, #tpu.memory_space<semaphore_mem>>
        %dma_start3A_699 = tpu.memref_squeeze %dma_start3A_698 : memref<1x!tpu.dma_semaphore, #tpu.memory_space<semaphore_mem>> -> memref<!tpu.dma_semaphore, #tpu.memory_space<semaphore_mem>>
        tpu.enqueue_indirect_dma source(%dma_start3A_697 : memref<10000xf32, #tpu.memory_space<vmem_shared>>) target(%dma_start3A_692 : memref<128xf32, #tpu.memory_space<vmem>>) offsets(%dma_start3A_695 : memref<128xi32, #tpu.memory_space<vmem>>) semaphore(%dma_start3A_699 : memref<!tpu.dma_semaphore, #tpu.memory_space<semaphore_mem>>)
      } else {
      }
      %add3A_661 = arith.constant 15 : i32
      %add3A_662 = arith.addi %mul3A_242, %add3A_661 : i32
      %dma_wait3A_663 = arith.constant 15 : i32
      %dma_wait3A_664 = arith.constant 0 : i32
      %dma_wait3A_665 = tpu.memref_slice %arg8[%add3A_662, %dma_wait3A_664] : memref<80x128xf32, #tpu.memory_space<vmem>> -> memref<1x128xf32, #tpu.memory_space<vmem>>
      %dma_wait3A_666 = tpu.memref_squeeze %dma_wait3A_665 : memref<1x128xf32, #tpu.memory_space<vmem>> -> memref<128xf32, #tpu.memory_space<vmem>>
      %dma_wait3A_667 = arith.constant 0 : i32
      %dma_wait3A_668 = tpu.memref_slice %arg6[%add3A_662, %dma_wait3A_667] : memref<80x128xi32, #tpu.memory_space<vmem>> -> memref<1x128xi32, #tpu.memory_space<vmem>>
      %dma_wait3A_669 = tpu.memref_squeeze %dma_wait3A_668 : memref<1x128xi32, #tpu.memory_space<vmem>> -> memref<128xi32, #tpu.memory_space<vmem>>
      %dma_wait3A_670 = arith.constant 0 : i32
      %dma_wait3A_671 = tpu.memref_slice %arg11[%dma_wait3A_670] : memref<10000xf32, #tpu.memory_space<vmem_shared>> -> memref<10000xf32, #tpu.memory_space<vmem_shared>>
      %dma_wait3A_672 = tpu.memref_slice %arg12[%dma_wait3A_663] : memref<16x!tpu.dma_semaphore, #tpu.memory_space<semaphore_mem>> -> memref<1x!tpu.dma_semaphore, #tpu.memory_space<semaphore_mem>>
      %dma_wait3A_673 = tpu.memref_squeeze %dma_wait3A_672 : memref<1x!tpu.dma_semaphore, #tpu.memory_space<semaphore_mem>> -> memref<!tpu.dma_semaphore, #tpu.memory_space<semaphore_mem>>
      tpu.wait_indirect_dma semaphore(%dma_wait3A_673 : memref<!tpu.dma_semaphore, #tpu.memory_space<semaphore_mem>>) src(%dma_wait3A_671 : memref<10000xf32, #tpu.memory_space<vmem_shared>>) dst(%dma_wait3A_666 : memref<128xf32, #tpu.memory_space<vmem>>)
      %dma_start3A_674 = arith.constant 0 : i32
      %dma_start3A_675 = tpu.memref_slice %arg8[%add3A_662, %dma_start3A_674] : memref<80x128xf32, #tpu.memory_space<vmem>> -> memref<1x128xf32, #tpu.memory_space<vmem>>
      %dma_start3A_676 = tpu.memref_squeeze %dma_start3A_675 : memref<1x128xf32, #tpu.memory_space<vmem>> -> memref<128xf32, #tpu.memory_space<vmem>>
      %dma_start3A_677 = arith.constant 0 : i32
      %dma_start3A_678 = tpu.memref_slice %arg7[%add3A_662, %dma_start3A_677] : memref<80x128xi32, #tpu.memory_space<vmem>> -> memref<1x128xi32, #tpu.memory_space<vmem>>
      %dma_start3A_679 = tpu.memref_squeeze %dma_start3A_678 : memref<1x128xi32, #tpu.memory_space<vmem>> -> memref<128xi32, #tpu.memory_space<vmem>>
      %dma_start3A_680 = arith.constant 0 : i32
      %dma_start3A_681 = tpu.memref_slice %arg10[%dma_start3A_680] : memref<10240xf32, #tpu.memory_space<vmem_shared>> -> memref<10240xf32, #tpu.memory_space<vmem_shared>>
      tpu.enqueue_indirect_dma source(%dma_start3A_676 : memref<128xf32, #tpu.memory_space<vmem>>) target(%dma_start3A_681 : memref<10240xf32, #tpu.memory_space<vmem_shared>>) offsets(%dma_start3A_679 : memref<128xi32, #tpu.memory_space<vmem>>) semaphore(%arg13 : memref<!tpu.dma_semaphore, #tpu.memory_space<semaphore_mem>>) {add = true}
      %add3A_682 = arith.constant 16 : i32
      %add3A_683 = arith.addi %add3A_662, %add3A_682 : i32
      %lt3A_684 = arith.constant 80 : i32
      %lt3A_685 = arith.cmpi slt, %add3A_683, %lt3A_684 : i32
      %convert_element_type3A_686 = arith.extui %lt3A_685 : i1 to i32
      %cond3A_687 = arith.constant 0 : i32
      %cond3A_688 = arith.cmpi ne, %convert_element_type3A_686, %cond3A_687 : i32
      scf.if %cond3A_688 {
        %dma_start3A_689 = arith.constant 15 : i32
        %dma_start3A_690 = arith.constant 0 : i32
        %dma_start3A_691 = tpu.memref_slice %arg8[%add3A_683, %dma_start3A_690] : memref<80x128xf32, #tpu.memory_space<vmem>> -> memref<1x128xf32, #tpu.memory_space<vmem>>
        %dma_start3A_692 = tpu.memref_squeeze %dma_start3A_691 : memref<1x128xf32, #tpu.memory_space<vmem>> -> memref<128xf32, #tpu.memory_space<vmem>>
        %dma_start3A_693 = arith.constant 0 : i32
        %dma_start3A_694 = tpu.memref_slice %arg6[%add3A_683, %dma_start3A_693] : memref<80x128xi32, #tpu.memory_space<vmem>> -> memref<1x128xi32, #tpu.memory_space<vmem>>
        %dma_start3A_695 = tpu.memref_squeeze %dma_start3A_694 : memref<1x128xi32, #tpu.memory_space<vmem>> -> memref<128xi32, #tpu.memory_space<vmem>>
        %dma_start3A_696 = arith.constant 0 : i32
        %dma_start3A_697 = tpu.memref_slice %arg11[%dma_start3A_696] : memref<10000xf32, #tpu.memory_space<vmem_shared>> -> memref<10000xf32, #tpu.memory_space<vmem_shared>>
        %dma_start3A_698 = tpu.memref_slice %arg12[%dma_start3A_689] : memref<16x!tpu.dma_semaphore, #tpu.memory_space<semaphore_mem>> -> memref<1x!tpu.dma_semaphore, #tpu.memory_space<semaphore_mem>>
        %dma_start3A_699 = tpu.memref_squeeze %dma_start3A_698 : memref<1x!tpu.dma_semaphore, #tpu.memory_space<semaphore_mem>> -> memref<!tpu.dma_semaphore, #tpu.memory_space<semaphore_mem>>
        tpu.enqueue_indirect_dma source(%dma_start3A_697 : memref<10000xf32, #tpu.memory_space<vmem_shared>>) target(%dma_start3A_692 : memref<128xf32, #tpu.memory_space<vmem>>) offsets(%dma_start3A_695 : memref<128xi32, #tpu.memory_space<vmem>>) semaphore(%dma_start3A_699 : memref<!tpu.dma_semaphore, #tpu.memory_space<semaphore_mem>>)
      } else {
      }
    }
    %scan3A_228 = arith.constant 5 : i32
    %scan3A_229 = arith.constant 0 : i32
    %scan3A_230 = arith.constant 0 : i32
    %scan3A_231 = arith.constant 80 : i32
    %scan3A_232 = arith.addi %scan3A_230, %scan3A_231 : i32
    %scan3A_233 = arith.constant 1 : i32
    scf.for %scan3A_240 = %scan3A_230 to %scan3A_232 step %scan3A_233  : i32 {
      %dma_wait3A = arith.constant 0 : i32
      %dma_wait3A_241 = tpu.memref_slice %arg8[%scan3A_240, %dma_wait3A] : memref<80x128xf32, #tpu.memory_space<vmem>> -> memref<1x128xf32, #tpu.memory_space<vmem>>
      %dma_wait3A_242 = tpu.memref_squeeze %dma_wait3A_241 : memref<1x128xf32, #tpu.memory_space<vmem>> -> memref<128xf32, #tpu.memory_space<vmem>>
      %dma_wait3A_243 = arith.constant 0 : i32
      %dma_wait3A_244 = tpu.memref_slice %arg7[%scan3A_240, %dma_wait3A_243] : memref<80x128xi32, #tpu.memory_space<vmem>> -> memref<1x128xi32, #tpu.memory_space<vmem>>
      %dma_wait3A_245 = tpu.memref_squeeze %dma_wait3A_244 : memref<1x128xi32, #tpu.memory_space<vmem>> -> memref<128xi32, #tpu.memory_space<vmem>>
      %dma_wait3A_246 = arith.constant 0 : i32
      %dma_wait3A_247 = tpu.memref_slice %arg10[%dma_wait3A_246] : memref<10240xf32, #tpu.memory_space<vmem_shared>> -> memref<10240xf32, #tpu.memory_space<vmem_shared>>
      tpu.wait_indirect_dma semaphore(%arg13 : memref<!tpu.dma_semaphore, #tpu.memory_space<semaphore_mem>>) src(%dma_wait3A_242 : memref<128xf32, #tpu.memory_space<vmem>>) dst(%dma_wait3A_247 : memref<10240xf32, #tpu.memory_space<vmem_shared>>)
    }
    %scan3A_234 = arith.constant 80 : i32
    %barrier3A_235 = arith.constant 0 : index
    tpu.barrier barrier_id(%barrier3A_235)
    %mul3A_236 = arith.constant 640 : i32
    %mul3A_237 = arith.muli %arg1, %mul3A_236 : i32
    %mul3A_238 = arith.constant 640 : i32
    %mul3A_239 = arith.muli %arg1, %mul3A_238 : i32
    "tpu.region"() ({
      %run_scoped3A = tpu.sem_alloc : memref<!tpu.dma_semaphore, #tpu.memory_space<semaphore_mem>>
      %dma_start3A_240 = tpu.memref_slice %arg5[%arg0, %mul3A_239] : memref<2x10240xf32, #tpu.memory_space<hbm>> -> memref<1x640xf32, #tpu.memory_space<hbm>>
      %dma_start3A_241 = tpu.memref_squeeze %dma_start3A_240 : memref<1x640xf32, #tpu.memory_space<hbm>> -> memref<640xf32, #tpu.memory_space<hbm>>
      %dma_start3A_242 = tpu.memref_slice %arg10[%mul3A_237] : memref<10240xf32, #tpu.memory_space<vmem_shared>> -> memref<640xf32, #tpu.memory_space<vmem_shared>>
      tpu.enqueue_dma source(%dma_start3A_242 : memref<640xf32, #tpu.memory_space<vmem_shared>>) target(%dma_start3A_241 : memref<640xf32, #tpu.memory_space<hbm>>) target_semaphore(%run_scoped3A : memref<!tpu.dma_semaphore, #tpu.memory_space<semaphore_mem>>)
      %dma_wait3A = tpu.memref_slice %arg5[%arg0, %mul3A_239] : memref<2x10240xf32, #tpu.memory_space<hbm>> -> memref<1x640xf32, #tpu.memory_space<hbm>>
      %dma_wait3A_243 = tpu.memref_squeeze %dma_wait3A : memref<1x640xf32, #tpu.memory_space<hbm>> -> memref<640xf32, #tpu.memory_space<hbm>>
      %dma_wait3A_244 = tpu.memref_slice %arg10[%mul3A_237] : memref<10240xf32, #tpu.memory_space<vmem_shared>> -> memref<640xf32, #tpu.memory_space<vmem_shared>>
      tpu.wait_dma2 semaphore(%run_scoped3A : memref<!tpu.dma_semaphore, #tpu.memory_space<semaphore_mem>>) src(%dma_wait3A_244 : memref<640xf32, #tpu.memory_space<vmem_shared>>) dst(%dma_wait3A_243 : memref<640xf32, #tpu.memory_space<hbm>>)
      tpu.yield
    }) : () -> ()
    return
  }
}

module attributes {stable_mosaic.version = 14 : i64} {
  func.func @_tc1_body(%arg0: i32, %arg1: memref<2560x128xf32, #tpu.memory_space<vmem>>, %arg2: memref<1x1xf32, #tpu.memory_space<vmem>>, %arg3: memref<1x1xf32, #tpu.memory_space<vmem>>, %arg4: memref<128x256xbf16, #tpu.memory_space<vmem>>, %arg5: memref<128x256xbf16, #tpu.memory_space<vmem>>, %arg6: memref<1x256xf32, #tpu.memory_space<vmem>>, %arg7: memref<1x256xf32, #tpu.memory_space<vmem>>, %arg8: memref<1x256xf32, #tpu.memory_space<vmem>>, %arg9: memref<2560x256xf32, #tpu.memory_space<vmem>>) attributes {dimension_semantics = [#tpu.dimension_semantics<arbitrary>], iteration_bounds = array<i64: 4>, scalar_prefetch = 0 : i64, scratch_operands = 0 : i64, tpu.core_type = #tpu.core_type<tc>, window_params = [{transform_indices = @transform_0, window_bounds = array<i64: 2560, 128>}, {pipeline_mode = #tpu.pipeline_mode<synchronous>, transform_indices = @transform_1, window_bounds = array<i64: 1, 1>}, {pipeline_mode = #tpu.pipeline_mode<synchronous>, transform_indices = @transform_2, window_bounds = array<i64: 1, 1>}, {pipeline_mode = #tpu.pipeline_mode<synchronous>, transform_indices = @transform_3, window_bounds = array<i64: 128, 256>}, {pipeline_mode = #tpu.pipeline_mode<synchronous>, transform_indices = @transform_4, window_bounds = array<i64: 128, 256>}, {pipeline_mode = #tpu.pipeline_mode<synchronous>, transform_indices = @transform_5, window_bounds = array<i64: 1, 256>}, {pipeline_mode = #tpu.pipeline_mode<synchronous>, transform_indices = @transform_6, window_bounds = array<i64: 1, 256>}, {pipeline_mode = #tpu.pipeline_mode<synchronous>, transform_indices = @transform_7, window_bounds = array<i64: 1, 256>}, {transform_indices = @transform_8, window_bounds = array<i64: 2560, 256>}]} {
    %get3A = arith.constant 0 : index
    %get3A_0 = arith.constant 0 : index
    %get3A_1 = vector.load %arg1[%get3A, %get3A_0] : memref<2560x128xf32, #tpu.memory_space<vmem>>, vector<2560x128xf32>
    %get3A_2 = arith.constant 0 : index
    %get3A_3 = arith.constant 0 : index
    %get3A_4 = vector.load %arg2[%get3A_2, %get3A_3] : memref<1x1xf32, #tpu.memory_space<vmem>>, vector<1x1xf32>
    %slice3A = vector.extract_strided_slice %get3A_1 {offsets = [0, 0], sizes = [2560, 1], strides = [1, 1]} : vector<2560x128xf32> to vector<2560x1xf32>
    %get3A_5 = arith.constant 0 : index
    %get3A_6 = arith.constant 0 : index
    %get3A_7 = vector.load %arg3[%get3A_5, %get3A_6] : memref<1x1xf32, #tpu.memory_space<vmem>>, vector<1x1xf32>
    %mul3A = vector.broadcast %get3A_7 : vector<1x1xf32> to vector<2560x1xf32>
    %mul3A_8 = arith.mulf %slice3A, %mul3A : vector<2560x1xf32>
    %add3A = vector.broadcast %get3A_4 : vector<1x1xf32> to vector<2560x1xf32>
    %add3A_9 = arith.addf %add3A, %mul3A_8 : vector<2560x1xf32>
    %get3A_10 = arith.constant 0 : index
    %get3A_11 = arith.constant 0 : index
    %get3A_12 = vector.load %arg4[%get3A_10, %get3A_11] : memref<128x256xbf16, #tpu.memory_space<vmem>>, vector<128x256xbf16>
    %get3A_13 = arith.constant 0 : index
    %get3A_14 = arith.constant 0 : index
    %get3A_15 = vector.load %arg5[%get3A_13, %get3A_14] : memref<128x256xbf16, #tpu.memory_space<vmem>>, vector<128x256xbf16>
    %convert_element_type3A = arith.truncf %get3A_1 : vector<2560x128xf32> to vector<2560x128xbf16>
    %convert_element_type3A_16 = arith.extf %convert_element_type3A : vector<2560x128xbf16> to vector<2560x128xf32>
    %sub3A = arith.subf %get3A_1, %convert_element_type3A_16 : vector<2560x128xf32>
    %convert_element_type3A_17 = arith.truncf %sub3A : vector<2560x128xf32> to vector<2560x128xbf16>
    %dot_general3A = arith.constant dense<0.000000e+00> : vector<2560x256xf32>
    %dot_general3A_18 = tpu.matmul %convert_element_type3A, %get3A_12, %dot_general3A {dimension_numbers = #tpu.dot_dimension_numbers<[1], [0], [0], [1], [0, 0, 1, 1], [], []>, transpose_lhs_hint = false} : vector<2560x128xbf16>, vector<128x256xbf16>, vector<2560x256xf32> -> vector<2560x256xf32>
    %dot_general3A_19 = arith.constant dense<0.000000e+00> : vector<2560x256xf32>
    %dot_general3A_20 = tpu.matmul %convert_element_type3A, %get3A_15, %dot_general3A_19 {dimension_numbers = #tpu.dot_dimension_numbers<[1], [0], [0], [1], [0, 0, 1, 1], [], []>, transpose_lhs_hint = false} : vector<2560x128xbf16>, vector<128x256xbf16>, vector<2560x256xf32> -> vector<2560x256xf32>
    %dot_general3A_21 = arith.constant dense<0.000000e+00> : vector<2560x256xf32>
    %dot_general3A_22 = tpu.matmul %convert_element_type3A_17, %get3A_12, %dot_general3A_21 {dimension_numbers = #tpu.dot_dimension_numbers<[1], [0], [0], [1], [0, 0, 1, 1], [], []>, transpose_lhs_hint = false} : vector<2560x128xbf16>, vector<128x256xbf16>, vector<2560x256xf32> -> vector<2560x256xf32>
    %add3A_23 = arith.addf %dot_general3A_20, %dot_general3A_22 : vector<2560x256xf32>
    %add3A_24 = arith.addf %dot_general3A_18, %add3A_23 : vector<2560x256xf32>
    %get3A_25 = arith.constant 0 : index
    %get3A_26 = arith.constant 0 : index
    %get3A_27 = vector.load %arg6[%get3A_25, %get3A_26] : memref<1x256xf32, #tpu.memory_space<vmem>>, vector<1x256xf32>
    %add3A_28 = vector.broadcast %get3A_27 : vector<1x256xf32> to vector<2560x256xf32>
    %add3A_29 = arith.addf %add3A_24, %add3A_28 : vector<2560x256xf32>
    %get3A_30 = arith.constant 0 : index
    %get3A_31 = arith.constant 0 : index
    %get3A_32 = vector.load %arg7[%get3A_30, %get3A_31] : memref<1x256xf32, #tpu.memory_space<vmem>>, vector<1x256xf32>
    %dot_general3A_33 = arith.constant dense<0.000000e+00> : vector<2560x256xf32>
    %dot_general3A_34 = tpu.matmul %add3A_9, %get3A_32, %dot_general3A_33 {dimension_numbers = #tpu.dot_dimension_numbers<[1], [0], [0], [1], [0, 0, 1, 1], [], []>, precision = #tpu.contract_precision<fp32>, transpose_lhs_hint = false} : vector<2560x1xf32>, vector<1x256xf32>, vector<2560x256xf32> -> vector<2560x256xf32>
    %add3A_35 = arith.addf %add3A_29, %dot_general3A_34 : vector<2560x256xf32>
    %get3A_36 = arith.constant 0 : index
    %get3A_37 = arith.constant 0 : index
    %get3A_38 = vector.load %arg8[%get3A_36, %get3A_37] : memref<1x256xf32, #tpu.memory_space<vmem>>, vector<1x256xf32>
    %add3A_39 = vector.broadcast %get3A_38 : vector<1x256xf32> to vector<2560x256xf32>
    %add3A_40 = arith.addf %add3A_35, %add3A_39 : vector<2560x256xf32>
    %swap3A = arith.constant 0 : index
    %swap3A_41 = arith.constant 0 : index
    %swap3A_42 = vector.load %arg9[%swap3A, %swap3A_41] : memref<2560x256xf32, #tpu.memory_space<vmem>>, vector<2560x256xf32>
    tpu.vector_store %arg9[%swap3A, %swap3A_41], %add3A_40 {strides = array<i32>} : memref<2560x256xf32, #tpu.memory_space<vmem>>, vector<2560x256xf32>,
    return
  }
  func.func @transform_0(%arg0: i32) -> (i32, i32) {
    %c0_i32 = arith.constant 0 : i32
    %c0_i32_0 = arith.constant 0 : i32
    return %arg0, %c0_i32 : i32, i32
  }
  func.func @transform_1(%arg0: i32) -> (i32, i32) {
    %c0_i32 = arith.constant 0 : i32
    %c0_i32_0 = arith.constant 0 : i32
    %c0_i32_1 = arith.constant 0 : i32
    return %c0_i32, %c0_i32_0 : i32, i32
  }
  func.func @transform_2(%arg0: i32) -> (i32, i32) {
    %c0_i32 = arith.constant 0 : i32
    %c0_i32_0 = arith.constant 0 : i32
    %c0_i32_1 = arith.constant 0 : i32
    return %c0_i32, %c0_i32_0 : i32, i32
  }
  func.func @transform_3(%arg0: i32) -> (i32, i32) {
    %c0_i32 = arith.constant 0 : i32
    %c0_i32_0 = arith.constant 0 : i32
    %c0_i32_1 = arith.constant 0 : i32
    return %c0_i32, %c0_i32_0 : i32, i32
  }
  func.func @transform_4(%arg0: i32) -> (i32, i32) {
    %c0_i32 = arith.constant 0 : i32
    %c0_i32_0 = arith.constant 0 : i32
    %c0_i32_1 = arith.constant 0 : i32
    return %c0_i32, %c0_i32_0 : i32, i32
  }
  func.func @transform_5(%arg0: i32) -> (i32, i32) {
    %c0_i32 = arith.constant 0 : i32
    %c0_i32_0 = arith.constant 0 : i32
    %c0_i32_1 = arith.constant 0 : i32
    return %c0_i32, %c0_i32_0 : i32, i32
  }
  func.func @transform_6(%arg0: i32) -> (i32, i32) {
    %c0_i32 = arith.constant 0 : i32
    %c0_i32_0 = arith.constant 0 : i32
    %c0_i32_1 = arith.constant 0 : i32
    return %c0_i32, %c0_i32_0 : i32, i32
  }
  func.func @transform_7(%arg0: i32) -> (i32, i32) {
    %c0_i32 = arith.constant 0 : i32
    %c0_i32_0 = arith.constant 0 : i32
    %c0_i32_1 = arith.constant 0 : i32
    return %c0_i32, %c0_i32_0 : i32, i32
  }
  func.func @transform_8(%arg0: i32) -> (i32, i32) {
    %c0_i32 = arith.constant 0 : i32
    %c0_i32_0 = arith.constant 0 : i32
    return %arg0, %c0_i32 : i32, i32
  }
}

module attributes {stable_mosaic.version = 14 : i64} {
  func.func @_tc2_body(%arg0: i32, %arg1: memref<2560x256xf32, #tpu.memory_space<vmem>>, %arg2: memref<2x2560xf32, #tpu.memory_space<vmem>>, %arg3: memref<1x1xf32, #tpu.memory_space<vmem>>, %arg4: memref<1x256xf32, #tpu.memory_space<vmem>>, %arg5: memref<256x256xbf16, #tpu.memory_space<vmem>>, %arg6: memref<256x256xbf16, #tpu.memory_space<vmem>>, %arg7: memref<1x256xf32, #tpu.memory_space<vmem>>, %arg8: memref<256x128xbf16, #tpu.memory_space<vmem>>, %arg9: memref<256x128xbf16, #tpu.memory_space<vmem>>, %arg10: memref<1x128xf32, #tpu.memory_space<vmem>>, %arg11: memref<2560x128xf32, #tpu.memory_space<vmem>>) attributes {dimension_semantics = [#tpu.dimension_semantics<arbitrary>], iteration_bounds = array<i64: 4>, scalar_prefetch = 0 : i64, scratch_operands = 0 : i64, tpu.core_type = #tpu.core_type<tc>, window_params = [{transform_indices = @transform_0, window_bounds = array<i64: 2560, 256>}, {transform_indices = @transform_1, window_bounds = array<i64: 2, 2560>}, {pipeline_mode = #tpu.pipeline_mode<synchronous>, transform_indices = @transform_2, window_bounds = array<i64: 1, 1>}, {pipeline_mode = #tpu.pipeline_mode<synchronous>, transform_indices = @transform_3, window_bounds = array<i64: 1, 256>}, {pipeline_mode = #tpu.pipeline_mode<synchronous>, transform_indices = @transform_4, window_bounds = array<i64: 256, 256>}, {pipeline_mode = #tpu.pipeline_mode<synchronous>, transform_indices = @transform_5, window_bounds = array<i64: 256, 256>}, {pipeline_mode = #tpu.pipeline_mode<synchronous>, transform_indices = @transform_6, window_bounds = array<i64: 1, 256>}, {pipeline_mode = #tpu.pipeline_mode<synchronous>, transform_indices = @transform_7, window_bounds = array<i64: 256, 128>}, {pipeline_mode = #tpu.pipeline_mode<synchronous>, transform_indices = @transform_8, window_bounds = array<i64: 256, 128>}, {pipeline_mode = #tpu.pipeline_mode<synchronous>, transform_indices = @transform_9, window_bounds = array<i64: 1, 128>}, {transform_indices = @transform_10, window_bounds = array<i64: 2560, 128>}]} {
    %get3A = arith.constant 0 : index
    %get3A_0 = arith.constant 0 : index
    %get3A_1 = vector.load %arg2[%get3A, %get3A_0] : memref<2x2560xf32, #tpu.memory_space<vmem>>, vector<2x2560xf32>
    %broadcast_in_dim3A = arith.constant 1.000000e+00 : f32
    %broadcast_in_dim3A_2 = vector.broadcast %broadcast_in_dim3A : f32 to vector<2x1xf32>
    %dot_general3A = arith.constant dense<0.000000e+00> : vector<2560x1xf32>
    %dot_general3A_3 = tpu.matmul %get3A_1, %broadcast_in_dim3A_2, %dot_general3A {dimension_numbers = #tpu.dot_dimension_numbers<[0], [0], [1], [1], [0, 1, 1, 1], [], []>, precision = #tpu.contract_precision<fp32>, transpose_lhs_hint = false} : vector<2x2560xf32>, vector<2x1xf32>, vector<2560x1xf32> -> vector<2560x1xf32>
    %get3A_4 = arith.constant 0 : index
    %get3A_5 = arith.constant 0 : index
    %get3A_6 = vector.load %arg1[%get3A_4, %get3A_5] : memref<2560x256xf32, #tpu.memory_space<vmem>>, vector<2560x256xf32>
    %get3A_7 = arith.constant 0 : index
    %get3A_8 = arith.constant 0 : index
    %get3A_9 = vector.load %arg3[%get3A_7, %get3A_8] : memref<1x1xf32, #tpu.memory_space<vmem>>, vector<1x1xf32>
    %mul3A = vector.broadcast %get3A_9 : vector<1x1xf32> to vector<2560x1xf32>
    %mul3A_10 = arith.mulf %dot_general3A_3, %mul3A : vector<2560x1xf32>
    %get3A_11 = arith.constant 0 : index
    %get3A_12 = arith.constant 0 : index
    %get3A_13 = vector.load %arg4[%get3A_11, %get3A_12] : memref<1x256xf32, #tpu.memory_space<vmem>>, vector<1x256xf32>
    %dot_general3A_14 = arith.constant dense<0.000000e+00> : vector<2560x256xf32>
    %dot_general3A_15 = tpu.matmul %mul3A_10, %get3A_13, %dot_general3A_14 {dimension_numbers = #tpu.dot_dimension_numbers<[1], [0], [0], [1], [0, 0, 1, 1], [], []>, precision = #tpu.contract_precision<fp32>, transpose_lhs_hint = false} : vector<2560x1xf32>, vector<1x256xf32>, vector<2560x256xf32> -> vector<2560x256xf32>
    %add3A = arith.addf %get3A_6, %dot_general3A_15 : vector<2560x256xf32>
    %get3A_16 = arith.constant 0 : index
    %get3A_17 = arith.constant 0 : index
    %get3A_18 = vector.load %arg5[%get3A_16, %get3A_17] : memref<256x256xbf16, #tpu.memory_space<vmem>>, vector<256x256xbf16>
    %get3A_19 = arith.constant 0 : index
    %get3A_20 = arith.constant 0 : index
    %get3A_21 = vector.load %arg6[%get3A_19, %get3A_20] : memref<256x256xbf16, #tpu.memory_space<vmem>>, vector<256x256xbf16>
    %convert_element_type3A = arith.truncf %add3A : vector<2560x256xf32> to vector<2560x256xbf16>
    %convert_element_type3A_22 = arith.extf %convert_element_type3A : vector<2560x256xbf16> to vector<2560x256xf32>
    %sub3A = arith.subf %add3A, %convert_element_type3A_22 : vector<2560x256xf32>
    %convert_element_type3A_23 = arith.truncf %sub3A : vector<2560x256xf32> to vector<2560x256xbf16>
    %dot_general3A_24 = arith.constant dense<0.000000e+00> : vector<2560x256xf32>
    %dot_general3A_25 = tpu.matmul %convert_element_type3A, %get3A_18, %dot_general3A_24 {dimension_numbers = #tpu.dot_dimension_numbers<[1], [0], [0], [1], [0, 0, 1, 1], [], []>, transpose_lhs_hint = false} : vector<2560x256xbf16>, vector<256x256xbf16>, vector<2560x256xf32> -> vector<2560x256xf32>
    %dot_general3A_26 = arith.constant dense<0.000000e+00> : vector<2560x256xf32>
    %dot_general3A_27 = tpu.matmul %convert_element_type3A, %get3A_21, %dot_general3A_26 {dimension_numbers = #tpu.dot_dimension_numbers<[1], [0], [0], [1], [0, 0, 1, 1], [], []>, transpose_lhs_hint = false} : vector<2560x256xbf16>, vector<256x256xbf16>, vector<2560x256xf32> -> vector<2560x256xf32>
    %dot_general3A_28 = arith.constant dense<0.000000e+00> : vector<2560x256xf32>
    %dot_general3A_29 = tpu.matmul %convert_element_type3A_23, %get3A_18, %dot_general3A_28 {dimension_numbers = #tpu.dot_dimension_numbers<[1], [0], [0], [1], [0, 0, 1, 1], [], []>, transpose_lhs_hint = false} : vector<2560x256xbf16>, vector<256x256xbf16>, vector<2560x256xf32> -> vector<2560x256xf32>
    %add3A_30 = arith.addf %dot_general3A_27, %dot_general3A_29 : vector<2560x256xf32>
    %add3A_31 = arith.addf %dot_general3A_25, %add3A_30 : vector<2560x256xf32>
    %get3A_32 = arith.constant 0 : index
    %get3A_33 = arith.constant 0 : index
    %get3A_34 = vector.load %arg7[%get3A_32, %get3A_33] : memref<1x256xf32, #tpu.memory_space<vmem>>, vector<1x256xf32>
    %add3A_35 = vector.broadcast %get3A_34 : vector<1x256xf32> to vector<2560x256xf32>
    %add3A_36 = arith.addf %add3A_31, %add3A_35 : vector<2560x256xf32>
    %max3A = arith.constant 0.000000e+00 : f32
    %max3A_37 = vector.broadcast %max3A : f32 to vector<2560x256xf32>
    %max3A_38 = arith.maximumf %add3A_36, %max3A_37 : vector<2560x256xf32>
    %get3A_39 = arith.constant 0 : index
    %get3A_40 = arith.constant 0 : index
    %get3A_41 = vector.load %arg8[%get3A_39, %get3A_40] : memref<256x128xbf16, #tpu.memory_space<vmem>>, vector<256x128xbf16>
    %get3A_42 = arith.constant 0 : index
    %get3A_43 = arith.constant 0 : index
    %get3A_44 = vector.load %arg9[%get3A_42, %get3A_43] : memref<256x128xbf16, #tpu.memory_space<vmem>>, vector<256x128xbf16>
    %convert_element_type3A_45 = arith.truncf %max3A_38 : vector<2560x256xf32> to vector<2560x256xbf16>
    %convert_element_type3A_46 = arith.extf %convert_element_type3A_45 : vector<2560x256xbf16> to vector<2560x256xf32>
    %sub3A_47 = arith.subf %max3A_38, %convert_element_type3A_46 : vector<2560x256xf32>
    %convert_element_type3A_48 = arith.truncf %sub3A_47 : vector<2560x256xf32> to vector<2560x256xbf16>
    %dot_general3A_49 = arith.constant dense<0.000000e+00> : vector<2560x128xf32>
    %dot_general3A_50 = tpu.matmul %convert_element_type3A_45, %get3A_41, %dot_general3A_49 {dimension_numbers = #tpu.dot_dimension_numbers<[1], [0], [0], [1], [0, 0, 1, 1], [], []>, transpose_lhs_hint = false} : vector<2560x256xbf16>, vector<256x128xbf16>, vector<2560x128xf32> -> vector<2560x128xf32>
    %dot_general3A_51 = arith.constant dense<0.000000e+00> : vector<2560x128xf32>
    %dot_general3A_52 = tpu.matmul %convert_element_type3A_45, %get3A_44, %dot_general3A_51 {dimension_numbers = #tpu.dot_dimension_numbers<[1], [0], [0], [1], [0, 0, 1, 1], [], []>, transpose_lhs_hint = false} : vector<2560x256xbf16>, vector<256x128xbf16>, vector<2560x128xf32> -> vector<2560x128xf32>
    %dot_general3A_53 = arith.constant dense<0.000000e+00> : vector<2560x128xf32>
    %dot_general3A_54 = tpu.matmul %convert_element_type3A_48, %get3A_41, %dot_general3A_53 {dimension_numbers = #tpu.dot_dimension_numbers<[1], [0], [0], [1], [0, 0, 1, 1], [], []>, transpose_lhs_hint = false} : vector<2560x256xbf16>, vector<256x128xbf16>, vector<2560x128xf32> -> vector<2560x128xf32>
    %add3A_55 = arith.addf %dot_general3A_52, %dot_general3A_54 : vector<2560x128xf32>
    %add3A_56 = arith.addf %dot_general3A_50, %add3A_55 : vector<2560x128xf32>
    %get3A_57 = arith.constant 0 : index
    %get3A_58 = arith.constant 0 : index
    %get3A_59 = vector.load %arg10[%get3A_57, %get3A_58] : memref<1x128xf32, #tpu.memory_space<vmem>>, vector<1x128xf32>
    %add3A_60 = vector.broadcast %get3A_59 : vector<1x128xf32> to vector<2560x128xf32>
    %add3A_61 = arith.addf %add3A_56, %add3A_60 : vector<2560x128xf32>
    %logistic3A = arith.negf %add3A_61 : vector<2560x128xf32>
    %logistic3A_62 = math.exp %logistic3A : vector<2560x128xf32>
    %logistic3A_63 = arith.constant 1.000000e+00 : f32
    %logistic3A_64 = vector.broadcast %logistic3A_63 : f32 to vector<2560x128xf32>
    %logistic3A_65 = arith.addf %logistic3A_64, %logistic3A_62 : vector<2560x128xf32>
    %logistic3A_66 = arith.divf %logistic3A_64, %logistic3A_65 : vector<2560x128xf32>
    %swap3A = arith.constant 0 : index
    %swap3A_67 = arith.constant 0 : index
    %swap3A_68 = vector.load %arg11[%swap3A, %swap3A_67] : memref<2560x128xf32, #tpu.memory_space<vmem>>, vector<2560x128xf32>
    tpu.vector_store %arg11[%swap3A, %swap3A_67], %logistic3A_66 {strides = array<i32>} : memref<2560x128xf32, #tpu.memory_space<vmem>>, vector<2560x128xf32>,
    return
  }
  func.func @transform_0(%arg0: i32) -> (i32, i32) {
    %c0_i32 = arith.constant 0 : i32
    %c0_i32_0 = arith.constant 0 : i32
    return %arg0, %c0_i32 : i32, i32
  }
  func.func @transform_1(%arg0: i32) -> (i32, i32) {
    %c0_i32 = arith.constant 0 : i32
    %c0_i32_0 = arith.constant 0 : i32
    return %c0_i32, %arg0 : i32, i32
  }
  func.func @transform_2(%arg0: i32) -> (i32, i32) {
    %c0_i32 = arith.constant 0 : i32
    %c0_i32_0 = arith.constant 0 : i32
    %c0_i32_1 = arith.constant 0 : i32
    return %c0_i32, %c0_i32_0 : i32, i32
  }
  func.func @transform_3(%arg0: i32) -> (i32, i32) {
    %c0_i32 = arith.constant 0 : i32
    %c0_i32_0 = arith.constant 0 : i32
    %c0_i32_1 = arith.constant 0 : i32
    return %c0_i32, %c0_i32_0 : i32, i32
  }
  func.func @transform_4(%arg0: i32) -> (i32, i32) {
    %c0_i32 = arith.constant 0 : i32
    %c0_i32_0 = arith.constant 0 : i32
    %c0_i32_1 = arith.constant 0 : i32
    return %c0_i32, %c0_i32_0 : i32, i32
  }
  func.func @transform_5(%arg0: i32) -> (i32, i32) {
    %c0_i32 = arith.constant 0 : i32
    %c0_i32_0 = arith.constant 0 : i32
    %c0_i32_1 = arith.constant 0 : i32
    return %c0_i32, %c0_i32_0 : i32, i32
  }
  func.func @transform_6(%arg0: i32) -> (i32, i32) {
    %c0_i32 = arith.constant 0 : i32
    %c0_i32_0 = arith.constant 0 : i32
    %c0_i32_1 = arith.constant 0 : i32
    return %c0_i32, %c0_i32_0 : i32, i32
  }
  func.func @transform_7(%arg0: i32) -> (i32, i32) {
    %c0_i32 = arith.constant 0 : i32
    %c0_i32_0 = arith.constant 0 : i32
    %c0_i32_1 = arith.constant 0 : i32
    return %c0_i32, %c0_i32_0 : i32, i32
  }
  func.func @transform_8(%arg0: i32) -> (i32, i32) {
    %c0_i32 = arith.constant 0 : i32
    %c0_i32_0 = arith.constant 0 : i32
    %c0_i32_1 = arith.constant 0 : i32
    return %c0_i32, %c0_i32_0 : i32, i32
  }
  func.func @transform_9(%arg0: i32) -> (i32, i32) {
    %c0_i32 = arith.constant 0 : i32
    %c0_i32_0 = arith.constant 0 : i32
    %c0_i32_1 = arith.constant 0 : i32
    return %c0_i32, %c0_i32_0 : i32, i32
  }
  func.func @transform_10(%arg0: i32) -> (i32, i32) {
    %c0_i32 = arith.constant 0 : i32
    %c0_i32_0 = arith.constant 0 : i32
    return %arg0, %c0_i32 : i32, i32
  }
}

</mosaic_0001>

<sc_bundles>
// kernel: kernel.5.cloned.1.call-start
scs
__scs_entry_jumppad:
0x0: {  	(pc) =	sbr.rel $0x88, $3  }
0x1: {  	(tag) =	ssettag $0x0;
	lr =	simm.s32 $0x1  }
0x2: {  	[smem:$0x3F94] =	sst lr;
	_ =	strace $0xD0000000  }
0x3: {  	_ = 	snop  }
0x4: {  	_ = 	snop  }
0x5: {  	_ = 	snop  }
0x6: {  	_ = 	snop  }
0x7: {  	_ = 	snop  }
__scs_overlays_trampoline_lowered:
0x8: {  	[smem:$0x3FA3] =	sst s0  }
0x9: {  	[smem:$0x3FA4] =	sst s1  }
0xa: {  	[smem:$0x3FA5] =	sst s2  }
0xb: {  	[smem:$0x3FA6] =	sst s3  }
0xc: {  	[smem:$0x3FA7] =	sst s4  }
0xd: {  	[smem:$0x3FA8] =	sst s5  }
0xe: {  	[smem:$0x3FA9] =	sst s6  }
0xf: {  	[smem:$0x3FAA] =	sst s7  }
0x10: {  	[smem:$0x3FAB] =	sst s8  }
0x11: {  	[smem:$0x3FAC] =	sst s9;
	s0 =	simm.s32 @!p0 $0x0  }
0x12: {  	s1 =	sld [smem:$0x3F92];
	s0 =	simm.s32 @p0 $0x1  }
0x13: {  	[smem:$0x3FAD] =	sst s0;
	s0 =	simm.s32 @!p1 $0x0  }
0x14: {  	s2 =	sld [smem:$0x3F91];
	s0 =	simm.s32 @p1 $0x1  }
0x15: {  	[smem:$0x3FAE] =	sst s0;
	s0 =	simm.s32 @!p2 $0x0  }
0x16: {  	s3 =	sld [smem:$0x3FDB];
	s0 =	simm.s32 @p2 $0x1  }
0x17: {  	s4 =	simm.s32 $0x1BF5;
	[smem:$0x3FB0] =	sst s0  }
0x18: {  	s0 =	sld [smem:$0x3F93];
	_ =	swait.ge [sflag:s4], $0x0  }
0x19: {  	s7 =	sld [smem:$0x3F94]  }
0x1a: {  	s8 =	sadd.s32 $0xFFFFE003, lr  }
0x1b: {  	s9 =	sadd.s32 $0xFFFFFEF7, lr;
	s5 =	simm.s32 $0xFFFFFFFF;
	p2 =	slt.u32 s8, $0xFFFFF086  }
0x1c: {  	p1 =	slt.u32 s9, $0xF7A;
	s5 =	simm.s32 @!p2 $0x0  }
0x1d: {  	s5 =	simm.s32 @p1 $0x1;
	p0 =	seq.s32 s7, s2  }
0x1e: {  	s7 =	smul.u32 @!p0 $0xF7A, s2;
	p2 =	seq.s32 @!p0 s5, $0x0  }
0x1f: {  	s9 =	smul.u32 $0xF7A, s1;
	s8 =	simm.s32 @!p0 $0x1BF5;
	p2 =	por !p2, p0  }
0x20: {  	[sflag:s8] =	ssyncset.s32 @!p0 $0xFFFFF086;
	s6 =	sadd.s32 @!p0 s3, s7;
	s7 =	simm.s32 @!p0 $0x108  }
0x21: {  	s3 =	sadd.s32 s3, s9;
	s6 =	sadd.s32 @!p0 $0x88, s6;
	s7 =	simm.s32 @p2 $0x1082  }
0x22: {  	[simem:s7], [sflag:s8] =	dma.local @!p0 [hbm:s6], $0xF7A  }
0x23: {  	s9 =	sor.u32 $0xD0000000, s2;
	s6 =	simm.s32 $0x108;
	_ =	swait.ge @!p0 [sflag:s8], $0x0  }
0x24: {  	s3 =	sadd.s32 $0x88, s3;
	s6 =	simm.s32 @!p1 $0x1082;
	[sflag:s4] =	ssyncset.s32 $0xFFFFF086  }
0x25: {  	[simem:s6], [sflag:s4] =	dma.local [hbm:s3], $0xF7A  }
0x26: {  	[smem:$0x3F94] =	sst s1;
	(tag) =	ssettag s2;
	_ =	strace s9  }
0x27: {  	s1 =	sld [smem:$0x3FA4]  }
0x28: {  	s2 =	sld [smem:$0x3FA5]  }
0x29: {  	s4 =	sld [smem:$0x3FA7]  }
0x2a: {  	p0 =	seq.s32 s5, $0x0;
	s5 =	sld [smem:$0x3FA8]  }
0x2b: {  	s6 =	sld [smem:$0x3FA9]  }
0x2c: {  	s7 =	sld [smem:$0x3FAA]  }
0x2d: {  	s3 =	simm.s32 $0x108;
	s8 =	sld [smem:$0x3FAB]  }
0x2e: {  	s3 =	simm.s32 @!p0 $0x1082;
	s9 =	sld [smem:$0x3FAC]  }
0x2f: {  	lr =	sadd.s32 s0, s3;
	s0 =	sld [smem:$0x3FA3]  }
0x30: {  	s3 =	sld [smem:$0x3FA6]  }
0x31: {  	[smem:$0x3FAF] =	sst s10  }
0x32: {  	s10 =	sld [smem:$0x3FAD];
	_ =	sdelay $0x3  }
0x33: {  	p0 =	seq.s32 s10, $0x1;
	s10 =	sld [smem:$0x3FAF];
	_ =	sdelay $0x3  }
0x34: {  	[smem:$0x3FAF] =	sst s10  }
0x35: {  	s10 =	sld [smem:$0x3FAE];
	_ =	sdelay $0x3  }
0x36: {  	p1 =	seq.s32 s10, $0x1;
	s10 =	sld [smem:$0x3FAF];
	_ =	sdelay $0x3  }
0x37: {  	[smem:$0x3FAF] =	sst s10  }
0x38: {  	s10 =	sld [smem:$0x3FB0]  }
0x39: {  	_ = 	snop;
	(pc) =	sbr.ind lr, $3  }
0x3a: {  	_ = 	snop  }
0x3b: {  	_ = 	snop  }
0x3c: {  	p2 =	seq.s32 s10, $0x1;
	s10 =	sld [smem:$0x3FAF]  }
0x3d: {  	_ =	shalt  }
0x3e: {  	_ =	shalt  }
0x3f: {  	_ =	shalt  }
0x40: {  	_ =	shalt  }
0x41: {  	_ =	shalt  }
0x42: {  	_ =	shalt  }
0x43: {  	_ =	shalt  }
0x44: {  	_ =	shalt  }
0x45: {  	_ =	shalt  }
0x46: {  	_ =	shalt  }
0x47: {  	_ =	shalt  }
0x48: {  	_ =	shalt  }
0x49: {  	_ =	shalt  }
0x4a: {  	_ =	shalt  }
0x4b: {  	_ =	shalt  }
0x4c: {  	_ =	shalt  }
0x4d: {  	_ =	shalt  }
0x4e: {  	_ =	shalt  }
0x4f: {  	_ =	shalt  }
0x50: {  	_ =	shalt  }
0x51: {  	_ =	shalt  }
0x52: {  	_ =	shalt  }
0x53: {  	_ =	shalt  }
0x54: {  	_ =	shalt  }
0x55: {  	_ =	shalt  }
0x56: {  	_ =	shalt  }
0x57: {  	_ =	shalt  }
0x58: {  	_ =	shalt  }
0x59: {  	_ =	shalt  }
0x5a: {  	_ =	shalt  }
0x5b: {  	_ =	shalt  }
0x5c: {  	_ =	shalt  }
0x5d: {  	_ =	shalt  }
0x5e: {  	_ =	shalt  }
0x5f: {  	_ =	shalt  }
0x60: {  	_ =	shalt  }
0x61: {  	_ =	shalt  }
0x62: {  	_ =	shalt  }
0x63: {  	_ =	shalt  }
0x64: {  	_ =	shalt  }
0x65: {  	_ =	shalt  }
0x66: {  	_ =	shalt  }
0x67: {  	_ =	shalt  }
0x68: {  	_ =	shalt  }
0x69: {  	_ =	shalt  }
0x6a: {  	_ =	shalt  }
0x6b: {  	_ =	shalt  }
0x6c: {  	_ =	shalt  }
0x6d: {  	_ =	shalt  }
0x6e: {  	_ =	shalt  }
0x6f: {  	_ =	shalt  }
0x70: {  	_ =	shalt  }
0x71: {  	_ =	shalt  }
0x72: {  	_ =	shalt  }
0x73: {  	_ =	shalt  }
0x74: {  	_ =	shalt  }
0x75: {  	_ =	shalt  }
0x76: {  	_ =	shalt  }
0x77: {  	_ =	shalt  }
0x78: {  	_ =	shalt  }
0x79: {  	_ =	shalt  }
0x7a: {  	_ =	shalt  }
0x7b: {  	_ =	shalt  }
0x7c: {  	_ =	shalt  }
0x7d: {  	_ =	shalt  }
0x7e: {  	_ =	shalt  }
0x7f: {  	_ =	shalt  }
0x80: {  	_ =	shalt  }
0x81: {  	_ =	shalt  }
0x82: {  	_ =	shalt  }
0x83: {  	_ =	shalt  }
0x84: {  	_ =	shalt  }
0x85: {  	_ =	shalt  }
0x86: {  	_ =	shalt  }
0x87: {  	_ =	shalt  }
.Lfunc_end0:
.L_simem_size_0:
called_computation_lowered:
.L_overlay_start_0:
0x88: {  	s2 =	sld [smem:$0x3FD9]  }
0x89: {  	s3 =	sld [smem:$0x3FFE];
	_ =	sdelay $0x1  }
0x8a: {  	s1 =	srdreg.scid  }
0x8b: {  	s0 =	sand.u32 $0x1, s1  }
0x8c: {  	s17 =	sshll.u32 s0, $0xA;
	s2 =	sadd.s32 s3, s2  }
0x8d: {  	s2 =	sadd.s32 s2, s17  }
0x8e: {  	[smem:$0x3FBB] =	sst s2  }
0x8f: {  	_ = 	snop  }
0x90: {  	s2 =	sld [smem:$0x3FD0];
	(tm) =	ssettm $0x1  }
0x91: {  	s18 =	sld [smem:$0x3FFB];
	_ =	sdelay $0x3  }
0x92: {  	_ =	strace s18  }
0x93: {  	s3 =	sld [smem:$0x3FFC];
	_ =	sdelay $0x3  }
0x94: {  	_ =	strace s3  }
0x95: {  	s3 =	sld [smem:$0x3FFD];
	_ =	sdelay $0x3  }
0x96: {  	_ =	strace s3  }
0x97: {  	_ =	strace $0x8FFFFFFF  }
0x98: {  	s19 =	sld [smem:$0x3FDB];
	_ =	sdelay $0x1  }
0x99: {  	s4 =	simm.s32 $_scs_section_size  }
0x9a: {  	s5 =	simm.s32 $_size__tile_overlayer_lowered;
	s6 =	simm.s32 $_tile_overlayer_lowered  }
0x9b: {  	s22 =	simm.s32 $0x1BFF;
	s21 =	sshll.u32 s6, $0x1;
	s3 =	sadd.s32 s4, s19  }
0x9c: {  	s7 =	simm.s32 $0x0;
	s20 =	sshll.u32 s5, $0x1;
	s5 =	sadd.s32 s21, s3  }
0x9d: {  	[timem:s7], [sflag:s22] =	dma.local [hbm:s5], s20  }
0x9e: {  	_ =	swait.ge [sflag:s22], s20  }
0x9f: {  	s4 =	ssub.s32 $0x0, s20;
	[sflag:s22] =	ssyncset.done $0x0  }
0xa0: {  	[sflag:s22] =	ssyncadd.s32 s4;
	_ =	sdelay $0x1  }
0xa1: {  	s23 =	simm.s32 $0x1B8B  }
0xa2: {  	_ =	swait.ge [sflag:s23], $0x1  }
0xa3: {  	[sflag:s23] =	ssyncset.done $0x0  }
0xa4: {  	s25 =	simm.s32 $0x1B8E;
	s24 =	sld [smem:$0x3FFE];
	[sflag:s23] =	ssyncadd.s32 $0xFFFFFFFF  }
0xa5: {  	s26 =	simm.s32 $execute0_lowered;
	[smem:$0x3FD2] =	sst s25  }
0xa6: {  	s5 =	sshll.u32 s26, $0x1;
	_ =	strace $0x80000046;
	[dreg:$0x1] =	wrdreg $0xFFFFFFFF  }
0xa7: {  	s28 =	simm.s32 $_size_execute0_lowered;
	s3 =	sadd.s32 s3, s5;
	[dreg:$0x0] =	wrdreg $0x0  }
0xa8: {  	s5 =	sshll.u32 s28, $0x1;
	[dreg:$0x2] =	wrdreg s3  }
0xa9: {  	[dreg:$0x3] =	wrdreg s5  }
0xaa: {  	[dreg:$0x4] =	wrdreg $0xC0  }
0xab: {  	_ =	task [dreg:s7], $0x5FFFF  }
0xac: {  	[dreg:$0x1] =	wrdreg $0xFFFFFFFF  }
0xad: {  	[dreg:$0x0] =	wrdreg $0x60  }
0xae: {  	[dreg:$0x2] =	wrdreg s24  }
0xaf: {  	[dreg:$0x3] =	wrdreg s2  }
0xb0: {  	[dreg:$0x4] =	wrdreg $0x7D000  }
0xb1: {  	[dreg:$0x5] =	wrdreg $0x7A800  }
0xb2: {  	[dreg:$0x6] =	wrdreg $0x9  }
0xb3: {  	_ =	task.clear_ibuf [dreg:s7], $0x7FFFF;
	_ =	strace $0x90000046  }
0xb4: {  	s29 =	simm.s32 $0x9;
	_ =	strace $0x80000048  }
0xb5: {  	_ =	swait.ge [sflag:s29], $0x1  }
0xb6: {  	[sflag:s29] =	ssyncadd.s32 $0xFFFFFFFF  }
0xb7: {  	_ =	strace $0x90000048  }
0xb8: {  	_ =	sfence  }
0xb9: {  	s30 =	sld [smem:$0x0];
	_ =	sdelay $0x2  }
0xba: {  	s31 =	sshll.u32 s1, $0xD;
	s1 =	sshrl.u32 s1, $0x2  }
0xbb: {  	s3 =	sand.u32 $0x4000, s31;
	s1 =	sadd.s32 s1, s30  }
0xbc: {  	s0 =	sor.u32 s3, s0;
	s1 =	sshll.u32 s1, $0x11  }
0xbd: {  	s0 =	sor.u32 s1, s0  }
0xbe: {  	s0 =	sadd.s32 $0x8F2B, s0  }
0xbf: {  	[sflag:s0] =	ssyncadd.remote.s32 $0x1  }
0xc0: {  	_ =	sfence.sel $0xFFFF  }
0xc1: {  	[dreg:$0x0] =	wrdreg $0xFFFFFFFF;
	(pc) =	sbr.abs _section_cstart, $3  }
0xc2: {  	[dreg:$0x1] =	wrdreg $0xFFFFFFFF  }
0xc3: {  	_ =	task.clear_ibuf [dreg:s7], $0x2FFFF;
	_ =	strace $0x9FFFFFFF  }
0xc4: {  	(tm) =	ssettm $0x7FFFFFFF  }
0xc5: {  	_ =	shalt  }
tec
execute0_lowered:
.L_overlay_start_1:
0x0: {  	(tag) =	ssettag $0x1  }
0x1: {  	s0 =	rddreg [dreg:$0x0]  }
0x2: {  	s4 =	rddreg [dreg:$0x1]  }
0x3: {  	s1 =	rddreg [dreg:$0x2]  }
0x4: {  	s2 =	rddreg [dreg:$0x3]  }
0x5: {  	s5 =	srdreg.scid;
	s3 =	simm.s32 $0x0;
	s12 =	stileid.u32  }
0x6: {  	s15 =	simm.s32 $0x80;
	s29 =	simm.s32 $0x1;
	s30 =	simm.s32 $0x3  }
0x7: {  	s31 =	simm.s32 $0x5;
	s13 =	simm.s32 $0xB;
	s14 =	simm.s32 $0xD  }
0x8: {  	s16 =	simm.s32 $0xF;
	s17 =	simm.s32 $0x10;
	s20 =	simm.s32 $0x11  }
0x9: {  	s21 =	simm.s32 $0x20;
	s22 =	simm.s32 $0x0;
	s7 =	smul.u32 $0x500, s12  }
0xa: {  	s6 =	sand.u32 $0x1, s5;
	[smem:$0x7FF] =	sst s3;
	s25 =	smul.u32 $0xA00, s12  }
0xb: {  	p0 =	sne.s32 s12, $0x0;
	s5 =	sshll.u32 s6, $0x4;
	_ =	strace $0x80000047  }
0xc: {  	s9 =	sshll.u32 s6, $0x7;
	s6 =	ssub.s32 $0x2, s6;
	s8 =	sor.u32 s12, s5  }
0xd: {  	s5 =	sadd.s32 $0x1800, s0;
	s7 =	sor.u32 s9, s7;
	s8 =	smul.u32 $0x500, s8  }
0xe: {  	s26 =	sshrl.u32 s6, $0x1;
	s28 =	sshrl.u32 s25, $0x2;
	s12 =	simm.s32 $0x12  }
0xf: {  	s7 =	sshrl.u32 s7, $0x3;
	s11 =	ssub.s32 s6, s26;
	s10 =	sadd.s32 s8, s0  }
0x10: {  	s0 =	sadd.s32 s7, s0;
	s6 =	sadd.s32 s4, s8;
	s8 =	sadd.s32 s28, s2  }
0x11: {  	s4 =	simm.s32 $0x9;
	s7 =	sadd.s32 $0x1E00, s10;
	s9 =	sadd.s32 $0xBE00, s0  }
0x12: {  	v0 =	vimm.f32 $0.0e+00;
	s10 =	smax.u32 s11, $0x1;
	s11 =	sshrl.u32 @!p0 s1, $0x3;
	s0 =	simm.s32 $0x7  }
.LBB2_1:
0x13: {  	s23 =	simm.s32 @!p0 $0x1C11  }
0x14: {  	[spmem:s11], [sflag:s23] =	dma.local @!p0 [hbm:s5], $0x4F0  }
0x15: {  	[tilespmem:s3], [sflag:$0x12] =	stream.linear.gather [hbm4b:s6+s3], $0x2800, $0x38;
	[tilespmem:$0x7F78] =	vst v63  }
0x16: {  	_ =	swait.ge [sflag:s12], $0x2800  }
0x17: {  	[sflag:s12] =	ssyncset.done $0x0  }
0x18: {  	s18 =	simm.s32 $0x2800;
	[sflag:s12] =	ssyncadd.s32 $0xFFFFD800  }
0x19: {  	[tilespmem:s18], [sflag:$0x12] =	stream.linear.gather [hbm4b:s7+s3], $0x2800, $0x38;
	[tilespmem:$0x7F78] =	vst v63  }
0x1a: {  	_ =	swait.ge [sflag:s12], $0x2800  }
0x1b: {  	[sflag:s12] =	ssyncset.done $0x0  }
0x1c: {  	[sflag:s12] =	ssyncadd.s32 $0xFFFFD800  }
0x1d: {  	[tilespmem:$0x7800] =	vst v0  }
0x1e: {  	[tilespmem:$0x7810] =	vst v0  }
0x1f: {  	[tilespmem:$0x7820] =	vst v0  }
0x20: {  	[tilespmem:$0x7830] =	vst v0  }
0x21: {  	[tilespmem:$0x7840] =	vst v0  }
0x22: {  	[tilespmem:$0x7850] =	vst v0  }
0x23: {  	[tilespmem:$0x7860] =	vst v0  }
0x24: {  	[tilespmem:$0x7870] =	vst v0  }
0x25: {  	[tilespmem:$0x7880] =	vst v0  }
0x26: {  	[tilespmem:$0x7890] =	vst v0  }
0x27: {  	[tilespmem:$0x78A0] =	vst v0  }
0x28: {  	[tilespmem:$0x78B0] =	vst v0  }
0x29: {  	[tilespmem:$0x78C0] =	vst v0  }
0x2a: {  	[tilespmem:$0x78D0] =	vst v0  }
0x2b: {  	[tilespmem:$0x78E0] =	vst v0  }
0x2c: {  	[tilespmem:$0x78F0] =	vst v0  }
0x2d: {  	[tilespmem:$0x7900] =	vst v0  }
0x2e: {  	[tilespmem:$0x7910] =	vst v0  }
0x2f: {  	[tilespmem:$0x7920] =	vst v0  }
0x30: {  	[tilespmem:$0x7930] =	vst v0  }
0x31: {  	[tilespmem:$0x7940] =	vst v0  }
0x32: {  	[tilespmem:$0x7950] =	vst v0  }
0x33: {  	[tilespmem:$0x7960] =	vst v0  }
0x34: {  	[tilespmem:$0x7970] =	vst v0  }
0x35: {  	[tilespmem:$0x7980] =	vst v0  }
0x36: {  	[tilespmem:$0x7990] =	vst v0  }
0x37: {  	[tilespmem:$0x79A0] =	vst v0  }
0x38: {  	[tilespmem:$0x79B0] =	vst v0  }
0x39: {  	[tilespmem:$0x79C0] =	vst v0  }
0x3a: {  	[tilespmem:$0x79D0] =	vst v0  }
0x3b: {  	[tilespmem:$0x79E0] =	vst v0  }
0x3c: {  	[tilespmem:$0x79F0] =	vst v0  }
0x3d: {  	[tilespmem:$0x7A00] =	vst v0  }
0x3e: {  	[tilespmem:$0x7A10] =	vst v0  }
0x3f: {  	[tilespmem:$0x7A20] =	vst v0  }
0x40: {  	[tilespmem:$0x7A30] =	vst v0  }
0x41: {  	[tilespmem:$0x7A40] =	vst v0  }
0x42: {  	[tilespmem:$0x7A50] =	vst v0  }
0x43: {  	[tilespmem:$0x7A60] =	vst v0  }
0x44: {  	s19 =	simm.s32 $0x7800;
	[tilespmem:$0x7A70] =	vst v0  }
0x45: {  	[spmem:s8] =	stream.linear.scatter [tilespmem:s19], [sflag:$0x12], $0x280, $0x38;
	[tilespmem:$0x7F78] =	vst v63  }
0x46: {  	_ =	swait.ge [sflag:s12], $0x280  }
0x47: {  	[sflag:s12] =	ssyncset.done $0x0  }
0x48: {  	s23 =	simm.s32 @!p0 $0x11;
	[sflag:s12] =	ssyncadd.s32 $0xFFFFFD80  }
0x49: {  	_ =	swait.ge @!p0 [sflag:s23], $0x4F0  }
0x4a: {  	[sflag:s23] =	ssyncset.done @!p0 $0x0  }
0x4b: {  	[sflag:s23] =	ssyncadd.s32 @!p0 $0xFFFFFB10  }
0x4c: {  	s23 =	simm.s32 $0x5000;
	[bflag:$0x0] =	sbarrier.arrive $0xFFFF  }
0x4d: {  	[tilespmem:s23], [sflag:$0x1] =	stream.indirect.gather [spmem:s1], $0x1, s3, s15, $0xb8;
	[tilespmem:$0x7F78] =	vst v63  }
0x4e: {  	s24 =	simm.s32 $0x5080  }
0x4f: {  	[tilespmem:s24], [sflag:$0x2] =	stream.indirect.gather [spmem:s1], $0x1, s15, s15, $0xb8;
	[tilespmem:$0x7F78] =	vst v63  }
0x50: {  	s25 =	simm.s32 $0x100;
	s19 =	simm.s32 $0x5100  }
0x51: {  	[tilespmem:s19], [sflag:$0x3] =	stream.indirect.gather [spmem:s1], $0x1, s25, s15, $0xb8;
	[tilespmem:$0x7F78] =	vst v63  }
0x52: {  	s26 =	simm.s32 $0x180;
	s28 =	simm.s32 $0x5180  }
0x53: {  	[tilespmem:s28], [sflag:$0x4] =	stream.indirect.gather [spmem:s1], $0x1, s26, s15, $0xb8;
	[tilespmem:$0x7F78] =	vst v63  }
0x54: {  	s23 =	simm.s32 $0x5200;
	s19 =	simm.s32 $0x200  }
0x55: {  	[tilespmem:s23], [sflag:$0x5] =	stream.indirect.gather [spmem:s1], $0x1, s19, s15, $0xb8;
	[tilespmem:$0x7F78] =	vst v63  }
0x56: {  	s24 =	simm.s32 $0x280;
	s25 =	simm.s32 $0x5280  }
0x57: {  	[tilespmem:s25], [sflag:$0x6] =	stream.indirect.gather [spmem:s1], $0x1, s24, s15, $0xb8;
	[tilespmem:$0x7F78] =	vst v63  }
0x58: {  	s26 =	simm.s32 $0x300;
	s28 =	simm.s32 $0x5300  }
0x59: {  	[tilespmem:s28], [sflag:$0x7] =	stream.indirect.gather [spmem:s1], $0x1, s26, s15, $0xb8;
	[tilespmem:$0x7F78] =	vst v63  }
0x5a: {  	s19 =	simm.s32 $0x380;
	s23 =	simm.s32 $0x5380  }
0x5b: {  	[tilespmem:s23], [sflag:$0x8] =	stream.indirect.gather [spmem:s1], $0x1, s19, s15, $0xb8;
	[tilespmem:$0x7F78] =	vst v63  }
0x5c: {  	s24 =	simm.s32 $0x400;
	s25 =	simm.s32 $0x5400  }
0x5d: {  	[tilespmem:s25], [sflag:$0x9] =	stream.indirect.gather [spmem:s1], $0x1, s24, s15, $0xb8;
	[tilespmem:$0x7F78] =	vst v63  }
0x5e: {  	s26 =	simm.s32 $0x480;
	s28 =	simm.s32 $0x5480  }
0x5f: {  	[tilespmem:s28], [sflag:$0xA] =	stream.indirect.gather [spmem:s1], $0x1, s26, s15, $0xb8;
	[tilespmem:$0x7F78] =	vst v63  }
0x60: {  	s19 =	simm.s32 $0x500;
	s23 =	simm.s32 $0x5500  }
0x61: {  	[tilespmem:s23], [sflag:$0xB] =	stream.indirect.gather [spmem:s1], $0x1, s19, s15, $0xb8;
	[tilespmem:$0x7F78] =	vst v63  }
0x62: {  	s24 =	simm.s32 $0x580;
	s25 =	simm.s32 $0x5580  }
0x63: {  	[tilespmem:s25], [sflag:$0xC] =	stream.indirect.gather [spmem:s1], $0x1, s24, s15, $0xb8;
	[tilespmem:$0x7F78] =	vst v63  }
0x64: {  	s26 =	simm.s32 $0x600;
	s28 =	simm.s32 $0x5600  }
0x65: {  	[tilespmem:s28], [sflag:$0xD] =	stream.indirect.gather [spmem:s1], $0x1, s26, s15, $0xb8;
	[tilespmem:$0x7F78] =	vst v63  }
0x66: {  	s19 =	simm.s32 $0x680;
	s23 =	simm.s32 $0x5680  }
0x67: {  	[tilespmem:s23], [sflag:$0xE] =	stream.indirect.gather [spmem:s1], $0x1, s19, s15, $0xb8;
	[tilespmem:$0x7F78] =	vst v63  }
0x68: {  	s24 =	simm.s32 $0x700;
	s25 =	simm.s32 $0x5700  }
0x69: {  	[tilespmem:s25], [sflag:$0xF] =	stream.indirect.gather [spmem:s1], $0x1, s24, s15, $0xb8;
	[tilespmem:$0x7F78] =	vst v63  }
0x6a: {  	s26 =	simm.s32 $0x780;
	s28 =	simm.s32 $0x5780;
	s23 =	simm.s32 $0x0  }
0x6b: {  	[tilespmem:s28], [sflag:$0x10] =	stream.indirect.gather [spmem:s1], $0x1, s26, s15, $0xb8;
	[tilespmem:$0x7F78] =	vst v63  }
.LBB2_2:
0x6c: {  	_ =	swait.ge [sflag:s29], $0x80  }
0x6d: {  	s24 =	sshra.s32 s23, $0x2;
	p1 =	seq.s32 s23, $0x8000;
	[sflag:s29] =	ssyncset.done $0x0  }
0x6e: {  	s25 =	sadd.s32 $0x5000, s24;
	s26 =	sadd.s32 $0x2800, s24;
	[sflag:s29] =	ssyncadd.s32 $0xFFFFFF80  }
0x6f: {  	[spmem:s2] =	stream.indirect.scatter.add.f32 [tilespmem:s25], [sflag:$0x11], $0x1, s26, s15, $0xb8;
	[tilespmem:$0x7F78] =	vst v63  }
0x70: {  	s25 =	simm.s32 @p1 $0x2  }
0x71: {  	_ =	swait.ge @p1 [sflag:s25], $0x80  }
0x72: {  	s28 =	simm.s32 @p1 $0x80;
	[sflag:s25] =	ssyncset.done @p1 $0x0  }
0x73: {  	s26 =	simm.s32 @p1 $0x7080;
	[sflag:s25] =	ssyncadd.s32 @p1 $0xFFFFFF80;
	s25 =	simm.s32 @p1 $0x4880  }
0x74: {  	[spmem:s2] =	stream.indirect.scatter.add.f32 @p1 [tilespmem:s26], [sflag:$0x11], $0x1, s25, s28, $0xb8;
	[tilespmem:$0x7F78] =	vst v63  }
0x75: {  	s25 =	sshra.s32 @!p1 s23, $0x2  }
0x76: {  	s26 =	simm.s32 @!p1 $0x80;
	s18 =	sadd.s32 @!p1 $0x5800, s25;
	s19 =	sadd.s32 @!p1 $0x800, s25  }
0x77: {  	[tilespmem:s18], [sflag:$0x1] =	stream.indirect.gather @!p1 [spmem:s1], $0x1, s19, s26, $0xb8;
	[tilespmem:$0x7F78] =	vst v63  }
0x78: {  	s18 =	simm.s32 @!p1 $0x2  }
0x79: {  	_ =	swait.ge @!p1 [sflag:s18], $0x80  }
0x7a: {  	[sflag:s18] =	ssyncset.done @!p1 $0x0  }
0x7b: {  	s19 =	sadd.s32 @!p1 $0x5080, s25;
	[sflag:s18] =	ssyncadd.s32 @!p1 $0xFFFFFF80;
	s18 =	sadd.s32 @!p1 $0x2880, s25  }
0x7c: {  	[spmem:s2] =	stream.indirect.scatter.add.f32 @!p1 [tilespmem:s19], [sflag:$0x11], $0x1, s18, s26, $0xb8;
	[tilespmem:$0x7F78] =	vst v63  }
0x7d: {  	s18 =	sadd.s32 @!p1 $0x5880, s25;
	s19 =	sadd.s32 @!p1 $0x880, s25  }
0x7e: {  	[tilespmem:s18], [sflag:$0x2] =	stream.indirect.gather @!p1 [spmem:s1], $0x1, s19, s26, $0xb8;
	[tilespmem:$0x7F78] =	vst v63  }
0x7f: {  	_ =	swait.ge [sflag:s30], $0x80  }
0x80: {  	[sflag:s30] =	ssyncset.done $0x0  }
0x81: {  	s18 =	sadd.s32 $0x5100, s24;
	s19 =	sadd.s32 $0x2900, s24;
	[sflag:s30] =	ssyncadd.s32 $0xFFFFFF80  }
0x82: {  	[spmem:s2] =	stream.indirect.scatter.add.f32 [tilespmem:s18], [sflag:$0x11], $0x1, s19, s15, $0xb8;
	[tilespmem:$0x7F78] =	vst v63  }
0x83: {  	s18 =	simm.s32 @p1 $0x4  }
0x84: {  	_ =	swait.ge @p1 [sflag:s18], $0x80  }
0x85: {  	[sflag:s18] =	ssyncset.done @p1 $0x0  }
0x86: {  	s19 =	simm.s32 @p1 $0x7180;
	[sflag:s18] =	ssyncadd.s32 @p1 $0xFFFFFF80;
	s18 =	simm.s32 @p1 $0x4980  }
0x87: {  	[spmem:s2] =	stream.indirect.scatter.add.f32 @p1 [tilespmem:s19], [sflag:$0x11], $0x1, s18, s28, $0xb8;
	[tilespmem:$0x7F78] =	vst v63  }
0x88: {  	s18 =	sadd.s32 @!p1 $0x5900, s25;
	s19 =	sadd.s32 @!p1 $0x900, s25  }
0x89: {  	[tilespmem:s18], [sflag:$0x3] =	stream.indirect.gather @!p1 [spmem:s1], $0x1, s19, s26, $0xb8;
	[tilespmem:$0x7F78] =	vst v63  }
0x8a: {  	s18 =	simm.s32 @!p1 $0x4  }
0x8b: {  	_ =	swait.ge @!p1 [sflag:s18], $0x80  }
0x8c: {  	[sflag:s18] =	ssyncset.done @!p1 $0x0  }
0x8d: {  	s19 =	sadd.s32 @!p1 $0x5180, s25;
	[sflag:s18] =	ssyncadd.s32 @!p1 $0xFFFFFF80;
	s18 =	sadd.s32 @!p1 $0x2980, s25  }
0x8e: {  	[spmem:s2] =	stream.indirect.scatter.add.f32 @!p1 [tilespmem:s19], [sflag:$0x11], $0x1, s18, s26, $0xb8;
	[tilespmem:$0x7F78] =	vst v63  }
0x8f: {  	s18 =	sadd.s32 @!p1 $0x5980, s25;
	s19 =	sadd.s32 @!p1 $0x980, s25  }
0x90: {  	[tilespmem:s18], [sflag:$0x4] =	stream.indirect.gather @!p1 [spmem:s1], $0x1, s19, s26, $0xb8;
	[tilespmem:$0x7F78] =	vst v63  }
0x91: {  	_ =	swait.ge [sflag:s31], $0x80  }
0x92: {  	[sflag:s31] =	ssyncset.done $0x0  }
0x93: {  	s18 =	sadd.s32 $0x5200, s24;
	s19 =	sadd.s32 $0x2A00, s24;
	[sflag:s31] =	ssyncadd.s32 $0xFFFFFF80  }
0x94: {  	[spmem:s2] =	stream.indirect.scatter.add.f32 [tilespmem:s18], [sflag:$0x11], $0x1, s19, s15, $0xb8;
	[tilespmem:$0x7F78] =	vst v63  }
0x95: {  	s18 =	simm.s32 @p1 $0x6  }
0x96: {  	_ =	swait.ge @p1 [sflag:s18], $0x80  }
0x97: {  	[sflag:s18] =	ssyncset.done @p1 $0x0  }
0x98: {  	s19 =	simm.s32 @p1 $0x7280;
	[sflag:s18] =	ssyncadd.s32 @p1 $0xFFFFFF80;
	s18 =	simm.s32 @p1 $0x4A80  }
0x99: {  	[spmem:s2] =	stream.indirect.scatter.add.f32 @p1 [tilespmem:s19], [sflag:$0x11], $0x1, s18, s28, $0xb8;
	[tilespmem:$0x7F78] =	vst v63  }
0x9a: {  	s18 =	sadd.s32 @!p1 $0x5A00, s25;
	s19 =	sadd.s32 @!p1 $0xA00, s25  }
0x9b: {  	[tilespmem:s18], [sflag:$0x5] =	stream.indirect.gather @!p1 [spmem:s1], $0x1, s19, s26, $0xb8;
	[tilespmem:$0x7F78] =	vst v63  }
0x9c: {  	s18 =	simm.s32 @!p1 $0x6  }
0x9d: {  	_ =	swait.ge @!p1 [sflag:s18], $0x80  }
0x9e: {  	[sflag:s18] =	ssyncset.done @!p1 $0x0  }
0x9f: {  	s19 =	sadd.s32 @!p1 $0x5280, s25;
	[sflag:s18] =	ssyncadd.s32 @!p1 $0xFFFFFF80;
	s18 =	sadd.s32 @!p1 $0x2A80, s25  }
0xa0: {  	[spmem:s2] =	stream.indirect.scatter.add.f32 @!p1 [tilespmem:s19], [sflag:$0x11], $0x1, s18, s26, $0xb8;
	[tilespmem:$0x7F78] =	vst v63  }
0xa1: {  	s18 =	sadd.s32 @!p1 $0x5A80, s25;
	s19 =	sadd.s32 @!p1 $0xA80, s25  }
0xa2: {  	[tilespmem:s18], [sflag:$0x6] =	stream.indirect.gather @!p1 [spmem:s1], $0x1, s19, s26, $0xb8;
	[tilespmem:$0x7F78] =	vst v63  }
0xa3: {  	_ =	swait.ge [sflag:s0], $0x80  }
0xa4: {  	[sflag:s0] =	ssyncset.done $0x0  }
0xa5: {  	s18 =	sadd.s32 $0x5300, s24;
	s19 =	sadd.s32 $0x2B00, s24;
	[sflag:s0] =	ssyncadd.s32 $0xFFFFFF80  }
0xa6: {  	[spmem:s2] =	stream.indirect.scatter.add.f32 [tilespmem:s18], [sflag:$0x11], $0x1, s19, s15, $0xb8;
	[tilespmem:$0x7F78] =	vst v63  }
0xa7: {  	s18 =	simm.s32 @p1 $0x8  }
0xa8: {  	_ =	swait.ge @p1 [sflag:s18], $0x80  }
0xa9: {  	[sflag:s18] =	ssyncset.done @p1 $0x0  }
0xaa: {  	s19 =	simm.s32 @p1 $0x7380;
	[sflag:s18] =	ssyncadd.s32 @p1 $0xFFFFFF80;
	s18 =	simm.s32 @p1 $0x4B80  }
0xab: {  	[spmem:s2] =	stream.indirect.scatter.add.f32 @p1 [tilespmem:s19], [sflag:$0x11], $0x1, s18, s28, $0xb8;
	[tilespmem:$0x7F78] =	vst v63  }
0xac: {  	s18 =	sadd.s32 @!p1 $0x5B00, s25;
	s19 =	sadd.s32 @!p1 $0xB00, s25  }
0xad: {  	[tilespmem:s18], [sflag:$0x7] =	stream.indirect.gather @!p1 [spmem:s1], $0x1, s19, s26, $0xb8;
	[tilespmem:$0x7F78] =	vst v63  }
0xae: {  	s18 =	simm.s32 @!p1 $0x8  }
0xaf: {  	_ =	swait.ge @!p1 [sflag:s18], $0x80  }
0xb0: {  	[sflag:s18] =	ssyncset.done @!p1 $0x0  }
0xb1: {  	s19 =	sadd.s32 @!p1 $0x5380, s25;
	[sflag:s18] =	ssyncadd.s32 @!p1 $0xFFFFFF80;
	s18 =	sadd.s32 @!p1 $0x2B80, s25  }
0xb2: {  	[spmem:s2] =	stream.indirect.scatter.add.f32 @!p1 [tilespmem:s19], [sflag:$0x11], $0x1, s18, s26, $0xb8;
	[tilespmem:$0x7F78] =	vst v63  }
0xb3: {  	s18 =	sadd.s32 @!p1 $0x5B80, s25;
	s19 =	sadd.s32 @!p1 $0xB80, s25  }
0xb4: {  	[tilespmem:s18], [sflag:$0x8] =	stream.indirect.gather @!p1 [spmem:s1], $0x1, s19, s26, $0xb8;
	[tilespmem:$0x7F78] =	vst v63  }
0xb5: {  	_ =	swait.ge [sflag:s4], $0x80  }
0xb6: {  	[sflag:s4] =	ssyncset.done $0x0  }
0xb7: {  	s18 =	sadd.s32 $0x5400, s24;
	s19 =	sadd.s32 $0x2C00, s24;
	[sflag:s4] =	ssyncadd.s32 $0xFFFFFF80  }
0xb8: {  	[spmem:s2] =	stream.indirect.scatter.add.f32 [tilespmem:s18], [sflag:$0x11], $0x1, s19, s15, $0xb8;
	[tilespmem:$0x7F78] =	vst v63  }
0xb9: {  	s18 =	simm.s32 @p1 $0xA  }
0xba: {  	_ =	swait.ge @p1 [sflag:s18], $0x80  }
0xbb: {  	[sflag:s18] =	ssyncset.done @p1 $0x0  }
0xbc: {  	s19 =	simm.s32 @p1 $0x7480;
	[sflag:s18] =	ssyncadd.s32 @p1 $0xFFFFFF80;
	s18 =	simm.s32 @p1 $0x4C80  }
0xbd: {  	[spmem:s2] =	stream.indirect.scatter.add.f32 @p1 [tilespmem:s19], [sflag:$0x11], $0x1, s18, s28, $0xb8;
	[tilespmem:$0x7F78] =	vst v63  }
0xbe: {  	s18 =	sadd.s32 @!p1 $0x5C00, s25;
	s19 =	sadd.s32 @!p1 $0xC00, s25  }
0xbf: {  	[tilespmem:s18], [sflag:$0x9] =	stream.indirect.gather @!p1 [spmem:s1], $0x1, s19, s26, $0xb8;
	[tilespmem:$0x7F78] =	vst v63  }
0xc0: {  	s18 =	simm.s32 @!p1 $0xA  }
0xc1: {  	_ =	swait.ge @!p1 [sflag:s18], $0x80  }
0xc2: {  	[sflag:s18] =	ssyncset.done @!p1 $0x0  }
0xc3: {  	s19 =	sadd.s32 @!p1 $0x5480, s25;
	[sflag:s18] =	ssyncadd.s32 @!p1 $0xFFFFFF80;
	s18 =	sadd.s32 @!p1 $0x2C80, s25  }
0xc4: {  	[spmem:s2] =	stream.indirect.scatter.add.f32 @!p1 [tilespmem:s19], [sflag:$0x11], $0x1, s18, s26, $0xb8;
	[tilespmem:$0x7F78] =	vst v63  }
0xc5: {  	s18 =	sadd.s32 @!p1 $0x5C80, s25;
	s19 =	sadd.s32 @!p1 $0xC80, s25  }
0xc6: {  	[tilespmem:s18], [sflag:$0xA] =	stream.indirect.gather @!p1 [spmem:s1], $0x1, s19, s26, $0xb8;
	[tilespmem:$0x7F78] =	vst v63  }
0xc7: {  	_ =	swait.ge [sflag:s13], $0x80  }
0xc8: {  	[sflag:s13] =	ssyncset.done $0x0  }
0xc9: {  	s18 =	sadd.s32 $0x5500, s24;
	s19 =	sadd.s32 $0x2D00, s24;
	[sflag:s13] =	ssyncadd.s32 $0xFFFFFF80  }
0xca: {  	[spmem:s2] =	stream.indirect.scatter.add.f32 [tilespmem:s18], [sflag:$0x11], $0x1, s19, s15, $0xb8;
	[tilespmem:$0x7F78] =	vst v63  }
0xcb: {  	s18 =	simm.s32 @p1 $0xC  }
0xcc: {  	_ =	swait.ge @p1 [sflag:s18], $0x80  }
0xcd: {  	[sflag:s18] =	ssyncset.done @p1 $0x0  }
0xce: {  	s19 =	simm.s32 @p1 $0x7580;
	[sflag:s18] =	ssyncadd.s32 @p1 $0xFFFFFF80;
	s18 =	simm.s32 @p1 $0x4D80  }
0xcf: {  	[spmem:s2] =	stream.indirect.scatter.add.f32 @p1 [tilespmem:s19], [sflag:$0x11], $0x1, s18, s28, $0xb8;
	[tilespmem:$0x7F78] =	vst v63  }
0xd0: {  	s18 =	sadd.s32 @!p1 $0x5D00, s25;
	s19 =	sadd.s32 @!p1 $0xD00, s25  }
0xd1: {  	[tilespmem:s18], [sflag:$0xB] =	stream.indirect.gather @!p1 [spmem:s1], $0x1, s19, s26, $0xb8;
	[tilespmem:$0x7F78] =	vst v63  }
0xd2: {  	s18 =	simm.s32 @!p1 $0xC  }
0xd3: {  	_ =	swait.ge @!p1 [sflag:s18], $0x80  }
0xd4: {  	[sflag:s18] =	ssyncset.done @!p1 $0x0  }
0xd5: {  	s19 =	sadd.s32 @!p1 $0x5580, s25;
	[sflag:s18] =	ssyncadd.s32 @!p1 $0xFFFFFF80;
	s18 =	sadd.s32 @!p1 $0x2D80, s25  }
0xd6: {  	[spmem:s2] =	stream.indirect.scatter.add.f32 @!p1 [tilespmem:s19], [sflag:$0x11], $0x1, s18, s26, $0xb8;
	[tilespmem:$0x7F78] =	vst v63  }
0xd7: {  	s18 =	sadd.s32 @!p1 $0x5D80, s25;
	s19 =	sadd.s32 @!p1 $0xD80, s25  }
0xd8: {  	[tilespmem:s18], [sflag:$0xC] =	stream.indirect.gather @!p1 [spmem:s1], $0x1, s19, s26, $0xb8;
	[tilespmem:$0x7F78] =	vst v63  }
0xd9: {  	_ =	swait.ge [sflag:s14], $0x80  }
0xda: {  	[sflag:s14] =	ssyncset.done $0x0  }
0xdb: {  	s18 =	sadd.s32 $0x5600, s24;
	s19 =	sadd.s32 $0x2E00, s24;
	[sflag:s14] =	ssyncadd.s32 $0xFFFFFF80  }
0xdc: {  	[spmem:s2] =	stream.indirect.scatter.add.f32 [tilespmem:s18], [sflag:$0x11], $0x1, s19, s15, $0xb8;
	[tilespmem:$0x7F78] =	vst v63  }
0xdd: {  	s18 =	simm.s32 @p1 $0xE  }
0xde: {  	_ =	swait.ge @p1 [sflag:s18], $0x80  }
0xdf: {  	[sflag:s18] =	ssyncset.done @p1 $0x0  }
0xe0: {  	s19 =	simm.s32 @p1 $0x7680;
	[sflag:s18] =	ssyncadd.s32 @p1 $0xFFFFFF80;
	s18 =	simm.s32 @p1 $0x4E80  }
0xe1: {  	[spmem:s2] =	stream.indirect.scatter.add.f32 @p1 [tilespmem:s19], [sflag:$0x11], $0x1, s18, s28, $0xb8;
	[tilespmem:$0x7F78] =	vst v63  }
0xe2: {  	s18 =	sadd.s32 @!p1 $0x5E00, s25;
	s19 =	sadd.s32 @!p1 $0xE00, s25  }
0xe3: {  	[tilespmem:s18], [sflag:$0xD] =	stream.indirect.gather @!p1 [spmem:s1], $0x1, s19, s26, $0xb8;
	[tilespmem:$0x7F78] =	vst v63  }
0xe4: {  	s18 =	simm.s32 @!p1 $0xE  }
0xe5: {  	_ =	swait.ge @!p1 [sflag:s18], $0x80  }
0xe6: {  	[sflag:s18] =	ssyncset.done @!p1 $0x0  }
0xe7: {  	s19 =	sadd.s32 @!p1 $0x5680, s25;
	[sflag:s18] =	ssyncadd.s32 @!p1 $0xFFFFFF80;
	s18 =	sadd.s32 @!p1 $0x2E80, s25  }
0xe8: {  	[spmem:s2] =	stream.indirect.scatter.add.f32 @!p1 [tilespmem:s19], [sflag:$0x11], $0x1, s18, s26, $0xb8;
	[tilespmem:$0x7F78] =	vst v63  }
0xe9: {  	s18 =	sadd.s32 @!p1 $0x5E80, s25;
	s19 =	sadd.s32 @!p1 $0xE80, s25  }
0xea: {  	[tilespmem:s18], [sflag:$0xE] =	stream.indirect.gather @!p1 [spmem:s1], $0x1, s19, s26, $0xb8;
	[tilespmem:$0x7F78] =	vst v63  }
.Ltmp0:
0xeb: {  	_ = 	snop;
	(pc) =	sbr.rel @p1 .LBB2_4-.Ltmp0, $4  }
0xec: {  	_ =	swait.ge [sflag:s16], $0x80  }
0xed: {  	[sflag:s16] =	ssyncset.done $0x0  }
0xee: {  	s28 =	sadd.s32 $0x2F00, s24;
	s26 =	sadd.s32 $0x5700, s24;
	[sflag:s16] =	ssyncadd.s32 $0xFFFFFF80  }
0xef: {  	[spmem:s2] =	stream.indirect.scatter.add.f32 [tilespmem:s26], [sflag:$0x11], $0x1, s28, s15, $0xb8;
	[tilespmem:$0x7F78] =	vst v63  }
0xf0: {  	s18 =	sadd.s32 $0x5F00, s24;
	s19 =	sadd.s32 $0xF00, s24  }
0xf1: {  	[tilespmem:s18], [sflag:$0xF] =	stream.indirect.gather [spmem:s1], $0x1, s19, s15, $0xb8;
	[tilespmem:$0x7F78] =	vst v63  }
0xf2: {  	_ =	swait.ge [sflag:s17], $0x80  }
.Ltmp1:
0xf3: {  	[sflag:s17] =	ssyncset.done $0x0;
	(pc) =	sbr.rel .LBB2_2-.Ltmp1, $4  }
0xf4: {  	s25 =	sadd.s32 $0x2F80, s24;
	s19 =	sadd.s32 $0x5780, s24;
	[sflag:s17] =	ssyncadd.s32 $0xFFFFFF80  }
0xf5: {  	[spmem:s2] =	stream.indirect.scatter.add.f32 [tilespmem:s19], [sflag:$0x11], $0x1, s25, s15, $0xb8;
	[tilespmem:$0x7F78] =	vst v63  }
0xf6: {  	s26 =	sadd.s32 $0x5F80, s24;
	s28 =	sadd.s32 $0xF80, s24;
	s23 =	sadd.s32 $0x2000, s23  }
0xf7: {  	[tilespmem:s26], [sflag:$0x10] =	stream.indirect.gather [spmem:s1], $0x1, s28, s15, $0xb8;
	[tilespmem:$0x7F78] =	vst v63  }
.LBB2_4:
0xf8: {  	_ =	swait.ge [sflag:s17], $0x80  }
0xf9: {  	[sflag:s17] =	ssyncset.done $0x0  }
0xfa: {  	s18 =	simm.s32 $0x4F80;
	s19 =	simm.s32 $0x7780;
	[sflag:s17] =	ssyncadd.s32 $0xFFFFFF80  }
0xfb: {  	[spmem:s2] =	stream.indirect.scatter.add.f32 [tilespmem:s19], [sflag:$0x11], $0x1, s18, s15, $0xb8;
	[tilespmem:$0x7F78] =	vst v63  }
0xfc: {  	_ =	swait.ge [sflag:s20], $0x80  }
0xfd: {  	s23 =	simm.s32 $0x4F;
	[sflag:s20] =	ssyncset.done $0x0  }
.LBB2_5:
0xfe: {  	p1 =	sne.s32 s23, $0x1;
	s23 =	sadd.s32 $0xFFFFFFFF, s23;
	[sflag:s20] =	ssyncadd.s32 $0xFFFFFF80  }
.Ltmp2:
0xff: {  	(pc) =	sbr.rel @p1 .LBB2_5-.Ltmp2, $3  }
0x100: {  	_ =	sdelay $0x1  }
0x101: {  	_ =	swait.ge [sflag:s20], $0x80  }
0x102: {  	[sflag:s20] =	ssyncset.done $0x0  }
0x103: {  	[sflag:s20] =	ssyncadd.s32 $0xFFFFFF80;
	s18 =	stileid.u32;
	s22 =	sadd.s32 $0x1, s22  }
0x104: {  	s19 =	sshrl.u32 s8, $0x3;
	s18 =	sshll.u32 s18, $0x6;
	p1 =	sne.s32 s22, s10  }
.Ltmp3:
0x105: {  	[bflag:$0x0] =	sbarrier.arrive $0xFFFF;
	s18 =	sor.u32 $0x1C12, s18;
	(pc) =	sbr.rel @p1 .LBB2_1-.Ltmp3, $4  }
0x106: {  	[hbm:s9@s21], [sflag:s18] =	dma.strided [spmem:s19@s17], $0x50, s29, $0x10   }
0x107: {  	_ =	swait.ge [sflag:s12], $0x50  }
0x108: {  	[sflag:s12] =	ssyncset.done $0x0  }
0x109: {  	[sflag:s12] =	ssyncadd.s32 $0xFFFFFFB0  }
0x10a: {  	_ =	sfence.sel $0x180000  }
0x10b: {  	[bflag:$0x0] =	sbarrier.arrive $0xFFFF  }
0x10c: {  	_ =	strace $0x90000047  }
0x10d: {  	[bflag:$0x2] =	sbarrier.arrive $0xFFFF  }
0x10e: {  	s0 =	rddreg [dreg:$0x4]  }
0x10f: {  	s0 =	sadd.s32 @!p0 $0x100000, s0  }
0x110: {  	[sflag:s0] =	ssyncadd.tile.s32 @!p0 $0x1;
	_ =	shalt  }
.Lfunc_end2:
_tile_overlayer_lowered:
.L_overlay_start_2:
0x111: {  	(tag) =	ssettag $0x2  }
0x112: {  	s0 =	rddreg [dreg:$0x0];
	s2 =	stileid.u32  }
0x113: {  	s1 =	rddreg [dreg:$0x1];
	p0 =	sne.s32 s2, $0x0  }
0x114: {  	s3 =	rddreg [dreg:$0x2];
	[bflag:$0x3] =	sbarrier.arrive $0xFFFF;
	s2 =	simm.s32 @!p0 $0x1C12  }
0x115: {  	[timem:s3], [sflag:s2] =	dma.local @!p0 [hbm:s0], s1  }
0x116: {  	s0 =	simm.s32 @!p0 $0x12  }
0x117: {  	_ =	swait.ge @!p0 [sflag:s0], s1  }
0x118: {  	s1 =	ssub.s32 @!p0 $0x0, s1;
	[sflag:s0] =	ssyncset.done @!p0 $0x0  }
0x119: {  	[sflag:s0] =	ssyncadd.s32 @!p0 s1  }
0x11a: {  	[bflag:$0x3] =	sbarrier.arrive $0xFFFF  }
0x11b: {  	_ =	shalt  }

</sc_bundles>
